<compile_context>
chip_gen: v7x
topology: tpu7x:2x2x1
jax: 0.10.2.dev20260603
libtpu: 0.0.44.dev20260713+nightly
codegen_flags: <defaults>
</compile_context>

<pallas_src>
import functools

import jax
import jax.numpy as jnp
from jax import lax
from jax.experimental import pallas as pl
from jax.experimental.pallas import tpu as pltpu
from jax.experimental.pallas import tpu_sc as plsc

_NC = 2
_NS = 16
_L = 16
_NW = _NC * _NS
_CHUNK = 128
_HALF = 256
_BLK = 8192


def _pack_rows(n: int, dim: int):
    pack = 128 // dim
    p = 1 << ((n + pack - 1) // pack - 1).bit_length()
    return pack, p


@functools.lru_cache(maxsize=None)
def _make_sc_kernel(batch: int, dim: int, pu: int, pg: int):
    b_w = batch // _NW
    su = (pu - 1).bit_length()
    sg = (pg - 1).bit_length()
    mesh = plsc.VectorSubcoreMesh(
        core_axis_name="c", subcore_axis_name="s",
        num_cores=_NC, num_subcores=_NS)

    @functools.partial(
        pl.kernel,
        out_type=jax.ShapeDtypeStruct((batch,), jnp.float32),
        mesh=mesh,
        compiler_params=pltpu.CompilerParams(
            needs_layout_passes=False, use_tc_tiling_on_sc=False),
        scratch_types=[
            pltpu.VMEM((b_w,), jnp.int32),
            pltpu.VMEM((b_w,), jnp.int32),
            pltpu.VMEM((b_w,), jnp.int32),
            pltpu.VMEM((b_w,), jnp.int32),
            pltpu.VMEM((_HALF, 128), jnp.float32),
            pltpu.VMEM((_HALF, 128), jnp.float32),
            pltpu.VMEM((b_w,), jnp.float32),
            pltpu.SemaphoreType.DMA,
        ],
    )
    def two_tower(uid_hbm, gid_hbm, ut4_hbm, gt4_hbm, out_hbm,
                  uidx, gidx, urow, grow, ubuf, gbuf, out_v, sem):
        wid = lax.axis_index("s") * _NC + lax.axis_index("c")
        base = wid * b_w
        pltpu.sync_copy(uid_hbm.at[pl.ds(base, b_w)], uidx)
        pltpu.sync_copy(gid_hbm.at[pl.ds(base, b_w)], gidx)

        def rows(v, carry):
            sl = pl.ds(v * _L, _L)
            urow[sl] = uidx[sl] & (pu - 1)
            grow[sl] = gidx[sl] & (pg - 1)
            return carry

        lax.fori_loop(0, b_w // _L, rows, 0)

        lane = lax.iota(jnp.int32, _L)

        def half(h, carry):
            hbase = h * _HALF
            copies = []
            for j in range(_HALF // _CHUNK):
                isl = pl.ds(hbase + j * _CHUNK, _CHUNK)
                osl = pl.ds(j * _CHUNK, _CHUNK)
                copies.append(pltpu.async_copy(
                    ut4_hbm.at[urow.at[isl]], ubuf.at[osl], sem))
                copies.append(pltpu.async_copy(
                    gt4_hbm.at[grow.at[isl]], gbuf.at[osl], sem))
            for c in copies:
                c.wait()

            def group(g, carry2):
                sl = pl.ds(hbase + g * _L, _L)
                ucol = (uidx[sl] >> su) * dim
                gcol = (gidx[sl] >> sg) * dim
                r16 = g * _L + lane
                acc = jnp.zeros((_L,), jnp.float32)
                for d in range(dim):
                    u = plsc.load_gather(ubuf, [r16, ucol + d])
                    v = plsc.load_gather(gbuf, [r16, gcol + d])
                    acc = acc + u * v
                out_v[sl] = 1.0 / (1.0 + jnp.exp(-acc))
                return carry2

            lax.fori_loop(0, _HALF // _L, group, 0)
            return carry

        lax.fori_loop(0, b_w // _HALF, half, 0)
        pltpu.sync_copy(out_v, out_hbm.at[pl.ds(base, b_w)])

    return two_tower


@functools.lru_cache(maxsize=None)
def _make_tc_pack(n: int, dim: int):
    pack, p = _pack_rows(n, dim)
    assert p % _BLK == 0
    last = pl.cdiv(n, _BLK) - 1

    def body(*refs):
        in_refs, o_ref = refs[:pack], refs[pack]
        for m in range(pack):
            o_ref[:, m * dim:(m + 1) * dim] = in_refs[m][...].T

    def imap(mm, j):
        return (0, jnp.minimum(j + mm * (p // _BLK), last))

    return pl.pallas_call(
        body,
        grid=(p // _BLK,),
        in_specs=[
            pl.BlockSpec((dim, _BLK), functools.partial(imap, m))
            for m in range(pack)
        ],
        out_specs=pl.BlockSpec((_BLK, 128), lambda j: (j, 0)),
        out_shape=jax.ShapeDtypeStruct((p, 128), jnp.float32),
    )


def kernel(user_ids, game_ids, user_table, game_table):
    nu, dim = user_table.shape
    ng = game_table.shape[0]
    _, pu = _pack_rows(nu, dim)
    _, pg = _pack_rows(ng, dim)
    fn = _make_sc_kernel(user_ids.shape[0], dim, pu, pg)
    utT = user_table.T
    gtT = game_table.T
    ut4 = _make_tc_pack(nu, dim)(*([utT] * (128 // dim)))
    gt4 = _make_tc_pack(ng, dim)(*([gtT] * (128 // dim)))
    return fn(user_ids.astype(jnp.int32), game_ids.astype(jnp.int32),
              ut4, gt4)

# --- scband reference (transcript-rebuilt; emitter-appended) ---
"""Pipeline reference for scband-two-tower-model-50697793962738 (READ-ONLY COPY).

The authoritative reference and input builder live on the scoring server;
editing this copy changes nothing except your own understanding.
"""

import jax, jax.numpy as jnp
import numpy as np

NUM_USERS = 1000000
NUM_GAMES = 100000
EMBED_DIM = 32
BATCH = 16384

def setup_inputs(seed: int = 0) -> dict:
    key = jax.random.key(seed)
    k1, k2, k3, k4 = jax.random.split(key, 4)
    user_ids = jax.random.randint(k1, (BATCH,), 0, NUM_USERS, dtype=jnp.int64) if jax.config.jax_enable_x64 else jax.random.randint(k1, (BATCH,), 0, NUM_USERS, dtype=jnp.int32)
    game_ids = jax.random.randint(k2, (BATCH,), 0, NUM_GAMES, dtype=jnp.int32)
    user_table = jax.random.normal(k3, (NUM_USERS, EMBED_DIM), dtype=jnp.float32)
    game_table = jax.random.normal(k4, (NUM_GAMES, EMBED_DIM), dtype=jnp.float32)
    return {"user_ids": user_ids, "game_ids": game_ids, "user_table": user_table, "game_table": game_table}

def reference(user_ids, game_ids, user_table, game_table):
    user_embeds = jnp.take(user_table, user_ids, axis=0)
    game_embeds = jnp.take(game_table, game_ids, axis=0)
    scores = jnp.sum(user_embeds * game_embeds, axis=1)
    return jax.nn.sigmoid(scores)

if __name__ == "__main__":
    import jax
    _d = setup_inputs()
    print(jax.jit(kernel)(*tuple(_d.values())))

</pallas_src>

<mosaic_0001>
#map = affine_map<(d0, d1) -> (0)>
#map1 = affine_map<(d0, d1) -> (0, 0)>
module attributes {stable_mosaic.version = 14 : i64} {
  func.func @two_tower(%arg0: i32, %arg1: i32, %arg2: memref<16384xi32, #tpu.memory_space<hbm>>, %arg3: memref<16384xi32, #tpu.memory_space<hbm>>, %arg4: memref<262144x128xf32, #tpu.memory_space<hbm>>, %arg5: memref<32768x128xf32, #tpu.memory_space<hbm>>, %arg6: memref<16384xf32, #tpu.memory_space<hbm>>, %arg7: memref<512xi32, #tpu.memory_space<vmem>>, %arg8: memref<512xi32, #tpu.memory_space<vmem>>, %arg9: memref<512xi32, #tpu.memory_space<vmem>>, %arg10: memref<512xi32, #tpu.memory_space<vmem>>, %arg11: memref<256x128xf32, #tpu.memory_space<vmem>>, %arg12: memref<256x128xf32, #tpu.memory_space<vmem>>, %arg13: memref<512xf32, #tpu.memory_space<vmem>>, %arg14: memref<!tpu.dma_semaphore, #tpu.memory_space<semaphore_mem>>) attributes {dimension_semantics = [#tpu.dimension_semantics<core_parallel>, #tpu.dimension_semantics<subcore_parallel>], iteration_bounds = array<i64: 2, 16>, scalar_prefetch = 0 : i64, scratch_operands = 8 : i64, tpu.core_type = #tpu.core_type<sc_vector_subcore>, window_params = [{transform_indices = #map}, {transform_indices = #map}, {transform_indices = #map1}, {transform_indices = #map1}, {transform_indices = #map}]} {
    %mul3A = arith.constant 2 : i32
    %mul3A_0 = arith.muli %arg1, %mul3A : i32
    %add3A = arith.addi %mul3A_0, %arg0 : i32
    %mul3A_1 = arith.constant 512 : i32
    %mul3A_2 = arith.muli %add3A, %mul3A_1 : i32
    "tpu.region"() ({
      %run_scoped3A = tpu.sem_alloc : memref<!tpu.dma_semaphore, #tpu.memory_space<semaphore_mem>>
      %dma_start3A = tpu.memref_slice %arg2[%mul3A_2] : memref<16384xi32, #tpu.memory_space<hbm>> -> memref<512xi32, #tpu.memory_space<hbm>>
      %dma_start3A_14 = tpu.memref_slice %arg2[%mul3A_2] : memref<16384xi32, #tpu.memory_space<hbm>> -> memref<512xi32, #tpu.memory_space<hbm>>
      tpu.enqueue_dma source(%dma_start3A_14 : memref<512xi32, #tpu.memory_space<hbm>>) target(%arg7 : memref<512xi32, #tpu.memory_space<vmem>>) target_semaphore(%run_scoped3A : memref<!tpu.dma_semaphore, #tpu.memory_space<semaphore_mem>>)
      %dma_wait3A = tpu.memref_slice %arg2[%mul3A_2] : memref<16384xi32, #tpu.memory_space<hbm>> -> memref<512xi32, #tpu.memory_space<hbm>>
      %dma_wait3A_15 = tpu.memref_slice %arg2[%mul3A_2] : memref<16384xi32, #tpu.memory_space<hbm>> -> memref<512xi32, #tpu.memory_space<hbm>>
      tpu.wait_dma2 semaphore(%run_scoped3A : memref<!tpu.dma_semaphore, #tpu.memory_space<semaphore_mem>>) src(%dma_wait3A_15 : memref<512xi32, #tpu.memory_space<hbm>>) dst(%arg7 : memref<512xi32, #tpu.memory_space<vmem>>)
      tpu.yield
    }) : () -> ()
    "tpu.region"() ({
      %run_scoped3A = tpu.sem_alloc : memref<!tpu.dma_semaphore, #tpu.memory_space<semaphore_mem>>
      %dma_start3A = tpu.memref_slice %arg3[%mul3A_2] : memref<16384xi32, #tpu.memory_space<hbm>> -> memref<512xi32, #tpu.memory_space<hbm>>
      %dma_start3A_14 = tpu.memref_slice %arg3[%mul3A_2] : memref<16384xi32, #tpu.memory_space<hbm>> -> memref<512xi32, #tpu.memory_space<hbm>>
      tpu.enqueue_dma source(%dma_start3A_14 : memref<512xi32, #tpu.memory_space<hbm>>) target(%arg8 : memref<512xi32, #tpu.memory_space<vmem>>) target_semaphore(%run_scoped3A : memref<!tpu.dma_semaphore, #tpu.memory_space<semaphore_mem>>)
      %dma_wait3A = tpu.memref_slice %arg3[%mul3A_2] : memref<16384xi32, #tpu.memory_space<hbm>> -> memref<512xi32, #tpu.memory_space<hbm>>
      %dma_wait3A_15 = tpu.memref_slice %arg3[%mul3A_2] : memref<16384xi32, #tpu.memory_space<hbm>> -> memref<512xi32, #tpu.memory_space<hbm>>
      tpu.wait_dma2 semaphore(%run_scoped3A : memref<!tpu.dma_semaphore, #tpu.memory_space<semaphore_mem>>) src(%dma_wait3A_15 : memref<512xi32, #tpu.memory_space<hbm>>) dst(%arg8 : memref<512xi32, #tpu.memory_space<vmem>>)
      tpu.yield
    }) : () -> ()
    %scan3A = arith.constant 0 : i32
    %scan3A_3 = arith.constant 0 : i32
    %scan3A_4 = arith.constant 32 : i32
    %scan3A_5 = arith.addi %scan3A_3, %scan3A_4 : i32
    %scan3A_6 = arith.constant 1 : i32
    scf.for %scan3A_14 = %scan3A_3 to %scan3A_5 step %scan3A_6  : i32 {
      %mul3A_15 = arith.constant 16 : i32
      %mul3A_16 = arith.muli %scan3A_14, %mul3A_15 : i32
      %get3A = arith.index_cast %mul3A_16 : i32 to index
      %get3A_17 = tpu.vector_load %arg7[%get3A] {strides = array<i32>} : memref<512xi32, #tpu.memory_space<vmem>>, vector<16xi32>,
      %and3A = arith.constant 262143 : i32
      %and3A_18 = vector.broadcast %and3A : i32 to vector<16xi32>
      %and3A_19 = arith.andi %get3A_17, %and3A_18 : vector<16xi32>
      %swap3A = arith.index_cast %mul3A_16 : i32 to index
      %swap3A_20 = tpu.vector_load %arg9[%swap3A] {strides = array<i32>} : memref<512xi32, #tpu.memory_space<vmem>>, vector<16xi32>,
      tpu.vector_store %arg9[%swap3A], %and3A_19 {strides = array<i32>} : memref<512xi32, #tpu.memory_space<vmem>>, vector<16xi32>,
      %get3A_21 = arith.index_cast %mul3A_16 : i32 to index
      %get3A_22 = tpu.vector_load %arg8[%get3A_21] {strides = array<i32>} : memref<512xi32, #tpu.memory_space<vmem>>, vector<16xi32>,
      %and3A_23 = arith.constant 32767 : i32
      %and3A_24 = vector.broadcast %and3A_23 : i32 to vector<16xi32>
      %and3A_25 = arith.andi %get3A_22, %and3A_24 : vector<16xi32>
      %swap3A_26 = arith.index_cast %mul3A_16 : i32 to index
      %swap3A_27 = tpu.vector_load %arg10[%swap3A_26] {strides = array<i32>} : memref<512xi32, #tpu.memory_space<vmem>>, vector<16xi32>,
      tpu.vector_store %arg10[%swap3A_26], %and3A_25 {strides = array<i32>} : memref<512xi32, #tpu.memory_space<vmem>>, vector<16xi32>,
    }
    %scan3A_7 = arith.constant 32 : i32
    %iota3A = tpu.iota {dimensions = array<i32: 0>} : vector<16xi32>
    %scan3A_8 = arith.constant 0 : i32
    %scan3A_9 = arith.constant 0 : i32
    %scan3A_10 = arith.constant 2 : i32
    %scan3A_11 = arith.addi %scan3A_9, %scan3A_10 : i32
    %scan3A_12 = arith.constant 1 : i32
    scf.for %scan3A_14 = %scan3A_9 to %scan3A_11 step %scan3A_12  : i32 {
      %mul3A_15 = arith.constant 256 : i32
      %mul3A_16 = arith.muli %scan3A_14, %mul3A_15 : i32
      %add3A_17 = arith.constant 0 : i32
      %add3A_18 = arith.addi %mul3A_16, %add3A_17 : i32
      %dma_start3A = arith.constant 0 : i32
      %dma_start3A_19 = arith.constant 0 : i32
      %dma_start3A_20 = tpu.memref_slice %arg11[%dma_start3A, %dma_start3A_19] : memref<256x128xf32, #tpu.memory_space<vmem>> -> memref<128x128xf32, #tpu.memory_space<vmem>>
      %dma_start3A_21 = tpu.memref_slice %arg9[%add3A_18] : memref<512xi32, #tpu.memory_space<vmem>> -> memref<128xi32, #tpu.memory_space<vmem>>
      %dma_start3A_22 = arith.constant 0 : i32
      %dma_start3A_23 = arith.constant 0 : i32
      %dma_start3A_24 = tpu.memref_slice %arg4[%dma_start3A_22, %dma_start3A_23] : memref<262144x128xf32, #tpu.memory_space<hbm>> -> memref<262144x128xf32, #tpu.memory_space<hbm>>
      tpu.enqueue_indirect_dma source(%dma_start3A_24 : memref<262144x128xf32, #tpu.memory_space<hbm>>) target(%dma_start3A_20 : memref<128x128xf32, #tpu.memory_space<vmem>>) offsets(%dma_start3A_21 : memref<128xi32, #tpu.memory_space<vmem>>) semaphore(%arg14 : memref<!tpu.dma_semaphore, #tpu.memory_space<semaphore_mem>>)
      %dma_start3A_25 = arith.constant 0 : i32
      %dma_start3A_26 = arith.constant 0 : i32
      %dma_start3A_27 = tpu.memref_slice %arg12[%dma_start3A_25, %dma_start3A_26] : memref<256x128xf32, #tpu.memory_space<vmem>> -> memref<128x128xf32, #tpu.memory_space<vmem>>
      %dma_start3A_28 = tpu.memref_slice %arg10[%add3A_18] : memref<512xi32, #tpu.memory_space<vmem>> -> memref<128xi32, #tpu.memory_space<vmem>>
      %dma_start3A_29 = arith.constant 0 : i32
      %dma_start3A_30 = arith.constant 0 : i32
      %dma_start3A_31 = tpu.memref_slice %arg5[%dma_start3A_29, %dma_start3A_30] : memref<32768x128xf32, #tpu.memory_space<hbm>> -> memref<32768x128xf32, #tpu.memory_space<hbm>>
      tpu.enqueue_indirect_dma source(%dma_start3A_31 : memref<32768x128xf32, #tpu.memory_space<hbm>>) target(%dma_start3A_27 : memref<128x128xf32, #tpu.memory_space<vmem>>) offsets(%dma_start3A_28 : memref<128xi32, #tpu.memory_space<vmem>>) semaphore(%arg14 : memref<!tpu.dma_semaphore, #tpu.memory_space<semaphore_mem>>)
      %add3A_32 = arith.constant 128 : i32
      %add3A_33 = arith.addi %mul3A_16, %add3A_32 : i32
      %dma_start3A_34 = arith.constant 128 : i32
      %dma_start3A_35 = arith.constant 0 : i32
      %dma_start3A_36 = tpu.memref_slice %arg11[%dma_start3A_34, %dma_start3A_35] : memref<256x128xf32, #tpu.memory_space<vmem>> -> memref<128x128xf32, #tpu.memory_space<vmem>>
      %dma_start3A_37 = tpu.memref_slice %arg9[%add3A_33] : memref<512xi32, #tpu.memory_space<vmem>> -> memref<128xi32, #tpu.memory_space<vmem>>
      %dma_start3A_38 = arith.constant 0 : i32
      %dma_start3A_39 = arith.constant 0 : i32
      %dma_start3A_40 = tpu.memref_slice %arg4[%dma_start3A_38, %dma_start3A_39] : memref<262144x128xf32, #tpu.memory_space<hbm>> -> memref<262144x128xf32, #tpu.memory_space<hbm>>
      tpu.enqueue_indirect_dma source(%dma_start3A_40 : memref<262144x128xf32, #tpu.memory_space<hbm>>) target(%dma_start3A_36 : memref<128x128xf32, #tpu.memory_space<vmem>>) offsets(%dma_start3A_37 : memref<128xi32, #tpu.memory_space<vmem>>) semaphore(%arg14 : memref<!tpu.dma_semaphore, #tpu.memory_space<semaphore_mem>>)
      %dma_start3A_41 = arith.constant 128 : i32
      %dma_start3A_42 = arith.constant 0 : i32
      %dma_start3A_43 = tpu.memref_slice %arg12[%dma_start3A_41, %dma_start3A_42] : memref<256x128xf32, #tpu.memory_space<vmem>> -> memref<128x128xf32, #tpu.memory_space<vmem>>
      %dma_start3A_44 = tpu.memref_slice %arg10[%add3A_33] : memref<512xi32, #tpu.memory_space<vmem>> -> memref<128xi32, #tpu.memory_space<vmem>>
      %dma_start3A_45 = arith.constant 0 : i32
      %dma_start3A_46 = arith.constant 0 : i32
      %dma_start3A_47 = tpu.memref_slice %arg5[%dma_start3A_45, %dma_start3A_46] : memref<32768x128xf32, #tpu.memory_space<hbm>> -> memref<32768x128xf32, #tpu.memory_space<hbm>>
      tpu.enqueue_indirect_dma source(%dma_start3A_47 : memref<32768x128xf32, #tpu.memory_space<hbm>>) target(%dma_start3A_43 : memref<128x128xf32, #tpu.memory_space<vmem>>) offsets(%dma_start3A_44 : memref<128xi32, #tpu.memory_space<vmem>>) semaphore(%arg14 : memref<!tpu.dma_semaphore, #tpu.memory_space<semaphore_mem>>)
      %dma_wait3A = arith.constant 0 : i32
      %dma_wait3A_48 = arith.constant 0 : i32
      %dma_wait3A_49 = tpu.memref_slice %arg11[%dma_wait3A, %dma_wait3A_48] : memref<256x128xf32, #tpu.memory_space<vmem>> -> memref<128x128xf32, #tpu.memory_space<vmem>>
      %dma_wait3A_50 = tpu.memref_slice %arg9[%add3A_18] : memref<512xi32, #tpu.memory_space<vmem>> -> memref<128xi32, #tpu.memory_space<vmem>>
      %dma_wait3A_51 = arith.constant 0 : i32
      %dma_wait3A_52 = arith.constant 0 : i32
      %dma_wait3A_53 = tpu.memref_slice %arg4[%dma_wait3A_51, %dma_wait3A_52] : memref<262144x128xf32, #tpu.memory_space<hbm>> -> memref<262144x128xf32, #tpu.memory_space<hbm>>
      tpu.wait_indirect_dma semaphore(%arg14 : memref<!tpu.dma_semaphore, #tpu.memory_space<semaphore_mem>>) src(%dma_wait3A_53 : memref<262144x128xf32, #tpu.memory_space<hbm>>) dst(%dma_wait3A_49 : memref<128x128xf32, #tpu.memory_space<vmem>>)
      %dma_wait3A_54 = arith.constant 0 : i32
      %dma_wait3A_55 = arith.constant 0 : i32
      %dma_wait3A_56 = tpu.memref_slice %arg12[%dma_wait3A_54, %dma_wait3A_55] : memref<256x128xf32, #tpu.memory_space<vmem>> -> memref<128x128xf32, #tpu.memory_space<vmem>>
      %dma_wait3A_57 = tpu.memref_slice %arg10[%add3A_18] : memref<512xi32, #tpu.memory_space<vmem>> -> memref<128xi32, #tpu.memory_space<vmem>>
      %dma_wait3A_58 = arith.constant 0 : i32
      %dma_wait3A_59 = arith.constant 0 : i32
      %dma_wait3A_60 = tpu.memref_slice %arg5[%dma_wait3A_58, %dma_wait3A_59] : memref<32768x128xf32, #tpu.memory_space<hbm>> -> memref<32768x128xf32, #tpu.memory_space<hbm>>
      tpu.wait_indirect_dma semaphore(%arg14 : memref<!tpu.dma_semaphore, #tpu.memory_space<semaphore_mem>>) src(%dma_wait3A_60 : memref<32768x128xf32, #tpu.memory_space<hbm>>) dst(%dma_wait3A_56 : memref<128x128xf32, #tpu.memory_space<vmem>>)
      %dma_wait3A_61 = arith.constant 128 : i32
      %dma_wait3A_62 = arith.constant 0 : i32
      %dma_wait3A_63 = tpu.memref_slice %arg11[%dma_wait3A_61, %dma_wait3A_62] : memref<256x128xf32, #tpu.memory_space<vmem>> -> memref<128x128xf32, #tpu.memory_space<vmem>>
      %dma_wait3A_64 = tpu.memref_slice %arg9[%add3A_33] : memref<512xi32, #tpu.memory_space<vmem>> -> memref<128xi32, #tpu.memory_space<vmem>>
      %dma_wait3A_65 = arith.constant 0 : i32
      %dma_wait3A_66 = arith.constant 0 : i32
      %dma_wait3A_67 = tpu.memref_slice %arg4[%dma_wait3A_65, %dma_wait3A_66] : memref<262144x128xf32, #tpu.memory_space<hbm>> -> memref<262144x128xf32, #tpu.memory_space<hbm>>
      tpu.wait_indirect_dma semaphore(%arg14 : memref<!tpu.dma_semaphore, #tpu.memory_space<semaphore_mem>>) src(%dma_wait3A_67 : memref<262144x128xf32, #tpu.memory_space<hbm>>) dst(%dma_wait3A_63 : memref<128x128xf32, #tpu.memory_space<vmem>>)
      %dma_wait3A_68 = arith.constant 128 : i32
      %dma_wait3A_69 = arith.constant 0 : i32
      %dma_wait3A_70 = tpu.memref_slice %arg12[%dma_wait3A_68, %dma_wait3A_69] : memref<256x128xf32, #tpu.memory_space<vmem>> -> memref<128x128xf32, #tpu.memory_space<vmem>>
      %dma_wait3A_71 = tpu.memref_slice %arg10[%add3A_33] : memref<512xi32, #tpu.memory_space<vmem>> -> memref<128xi32, #tpu.memory_space<vmem>>
      %dma_wait3A_72 = arith.constant 0 : i32
      %dma_wait3A_73 = arith.constant 0 : i32
      %dma_wait3A_74 = tpu.memref_slice %arg5[%dma_wait3A_72, %dma_wait3A_73] : memref<32768x128xf32, #tpu.memory_space<hbm>> -> memref<32768x128xf32, #tpu.memory_space<hbm>>
      tpu.wait_indirect_dma semaphore(%arg14 : memref<!tpu.dma_semaphore, #tpu.memory_space<semaphore_mem>>) src(%dma_wait3A_74 : memref<32768x128xf32, #tpu.memory_space<hbm>>) dst(%dma_wait3A_70 : memref<128x128xf32, #tpu.memory_space<vmem>>)
      %scan3A_75 = arith.constant 0 : i32
      %scan3A_76 = arith.constant 0 : i32
      %scan3A_77 = arith.constant 16 : i32
      %scan3A_78 = arith.addi %scan3A_76, %scan3A_77 : i32
      %scan3A_79 = arith.constant 1 : i32
      scf.for %scan3A_81 = %scan3A_76 to %scan3A_78 step %scan3A_79  : i32 {
        %mul3A_82 = arith.constant 16 : i32
        %mul3A_83 = arith.muli %scan3A_81, %mul3A_82 : i32
        %add3A_84 = arith.addi %mul3A_16, %mul3A_83 : i32
        %get3A = arith.index_cast %add3A_84 : i32 to index
        %get3A_85 = tpu.vector_load %arg7[%get3A] {strides = array<i32>} : memref<512xi32, #tpu.memory_space<vmem>>, vector<16xi32>,
        %shift_right_arithmetic3A = arith.constant 18 : i32
        %shift_right_arithmetic3A_86 = vector.broadcast %shift_right_arithmetic3A : i32 to vector<16xi32>
        %shift_right_arithmetic3A_87 = arith.shrsi %get3A_85, %shift_right_arithmetic3A_86 : vector<16xi32>
        %mul3A_88 = arith.constant 32 : i32
        %mul3A_89 = vector.broadcast %mul3A_88 : i32 to vector<16xi32>
        %mul3A_90 = arith.muli %shift_right_arithmetic3A_87, %mul3A_89 : vector<16xi32>
        %get3A_91 = arith.index_cast %add3A_84 : i32 to index
        %get3A_92 = tpu.vector_load %arg8[%get3A_91] {strides = array<i32>} : memref<512xi32, #tpu.memory_space<vmem>>, vector<16xi32>,
        %shift_right_arithmetic3A_93 = arith.constant 15 : i32
        %shift_right_arithmetic3A_94 = vector.broadcast %shift_right_arithmetic3A_93 : i32 to vector<16xi32>
        %shift_right_arithmetic3A_95 = arith.shrsi %get3A_92, %shift_right_arithmetic3A_94 : vector<16xi32>
        %mul3A_96 = arith.constant 32 : i32
        %mul3A_97 = vector.broadcast %mul3A_96 : i32 to vector<16xi32>
        %mul3A_98 = arith.muli %shift_right_arithmetic3A_95, %mul3A_97 : vector<16xi32>
        %mul3A_99 = arith.constant 16 : i32
        %mul3A_100 = arith.muli %scan3A_81, %mul3A_99 : i32
        %add3A_101 = vector.broadcast %mul3A_100 : i32 to vector<16xi32>
        %add3A_102 = arith.addi %add3A_101, %iota3A : vector<16xi32>
        %broadcast_in_dim3A = arith.constant 0.000000e+00 : f32
        %broadcast_in_dim3A_103 = vector.broadcast %broadcast_in_dim3A : f32 to vector<16xf32>
        %add3A_104 = arith.constant 0 : i32
        %add3A_105 = vector.broadcast %add3A_104 : i32 to vector<16xi32>
        %add3A_106 = arith.addi %mul3A_90, %add3A_105 : vector<16xi32>
        %gather3A = tpu.vector_load_idx %arg11[%add3A_102, %add3A_106] : memref<256x128xf32, #tpu.memory_space<vmem>>[vector<16xi32>, vector<16xi32>], vector<16xf32>,
        %add3A_107 = arith.constant 0 : i32
        %add3A_108 = vector.broadcast %add3A_107 : i32 to vector<16xi32>
        %add3A_109 = arith.addi %mul3A_98, %add3A_108 : vector<16xi32>
        %gather3A_110 = tpu.vector_load_idx %arg12[%add3A_102, %add3A_109] : memref<256x128xf32, #tpu.memory_space<vmem>>[vector<16xi32>, vector<16xi32>], vector<16xf32>,
        %mul3A_111 = arith.mulf %gather3A, %gather3A_110 : vector<16xf32>
        %add3A_112 = arith.addf %broadcast_in_dim3A_103, %mul3A_111 : vector<16xf32>
        %add3A_113 = arith.constant 1 : i32
        %add3A_114 = vector.broadcast %add3A_113 : i32 to vector<16xi32>
        %add3A_115 = arith.addi %mul3A_90, %add3A_114 : vector<16xi32>
        %gather3A_116 = tpu.vector_load_idx %arg11[%add3A_102, %add3A_115] : memref<256x128xf32, #tpu.memory_space<vmem>>[vector<16xi32>, vector<16xi32>], vector<16xf32>,
        %add3A_117 = arith.constant 1 : i32
        %add3A_118 = vector.broadcast %add3A_117 : i32 to vector<16xi32>
        %add3A_119 = arith.addi %mul3A_98, %add3A_118 : vector<16xi32>
        %gather3A_120 = tpu.vector_load_idx %arg12[%add3A_102, %add3A_119] : memref<256x128xf32, #tpu.memory_space<vmem>>[vector<16xi32>, vector<16xi32>], vector<16xf32>,
        %mul3A_121 = arith.mulf %gather3A_116, %gather3A_120 : vector<16xf32>
        %add3A_122 = arith.addf %add3A_112, %mul3A_121 : vector<16xf32>
        %add3A_123 = arith.constant 2 : i32
        %add3A_124 = vector.broadcast %add3A_123 : i32 to vector<16xi32>
        %add3A_125 = arith.addi %mul3A_90, %add3A_124 : vector<16xi32>
        %gather3A_126 = tpu.vector_load_idx %arg11[%add3A_102, %add3A_125] : memref<256x128xf32, #tpu.memory_space<vmem>>[vector<16xi32>, vector<16xi32>], vector<16xf32>,
        %add3A_127 = arith.constant 2 : i32
        %add3A_128 = vector.broadcast %add3A_127 : i32 to vector<16xi32>
        %add3A_129 = arith.addi %mul3A_98, %add3A_128 : vector<16xi32>
        %gather3A_130 = tpu.vector_load_idx %arg12[%add3A_102, %add3A_129] : memref<256x128xf32, #tpu.memory_space<vmem>>[vector<16xi32>, vector<16xi32>], vector<16xf32>,
        %mul3A_131 = arith.mulf %gather3A_126, %gather3A_130 : vector<16xf32>
        %add3A_132 = arith.addf %add3A_122, %mul3A_131 : vector<16xf32>
        %add3A_133 = arith.constant 3 : i32
        %add3A_134 = vector.broadcast %add3A_133 : i32 to vector<16xi32>
        %add3A_135 = arith.addi %mul3A_90, %add3A_134 : vector<16xi32>
        %gather3A_136 = tpu.vector_load_idx %arg11[%add3A_102, %add3A_135] : memref<256x128xf32, #tpu.memory_space<vmem>>[vector<16xi32>, vector<16xi32>], vector<16xf32>,
        %add3A_137 = arith.constant 3 : i32
        %add3A_138 = vector.broadcast %add3A_137 : i32 to vector<16xi32>
        %add3A_139 = arith.addi %mul3A_98, %add3A_138 : vector<16xi32>
        %gather3A_140 = tpu.vector_load_idx %arg12[%add3A_102, %add3A_139] : memref<256x128xf32, #tpu.memory_space<vmem>>[vector<16xi32>, vector<16xi32>], vector<16xf32>,
        %mul3A_141 = arith.mulf %gather3A_136, %gather3A_140 : vector<16xf32>
        %add3A_142 = arith.addf %add3A_132, %mul3A_141 : vector<16xf32>
        %add3A_143 = arith.constant 4 : i32
        %add3A_144 = vector.broadcast %add3A_143 : i32 to vector<16xi32>
        %add3A_145 = arith.addi %mul3A_90, %add3A_144 : vector<16xi32>
        %gather3A_146 = tpu.vector_load_idx %arg11[%add3A_102, %add3A_145] : memref<256x128xf32, #tpu.memory_space<vmem>>[vector<16xi32>, vector<16xi32>], vector<16xf32>,
        %add3A_147 = arith.constant 4 : i32
        %add3A_148 = vector.broadcast %add3A_147 : i32 to vector<16xi32>
        %add3A_149 = arith.addi %mul3A_98, %add3A_148 : vector<16xi32>
        %gather3A_150 = tpu.vector_load_idx %arg12[%add3A_102, %add3A_149] : memref<256x128xf32, #tpu.memory_space<vmem>>[vector<16xi32>, vector<16xi32>], vector<16xf32>,
        %mul3A_151 = arith.mulf %gather3A_146, %gather3A_150 : vector<16xf32>
        %add3A_152 = arith.addf %add3A_142, %mul3A_151 : vector<16xf32>
        %add3A_153 = arith.constant 5 : i32
        %add3A_154 = vector.broadcast %add3A_153 : i32 to vector<16xi32>
        %add3A_155 = arith.addi %mul3A_90, %add3A_154 : vector<16xi32>
        %gather3A_156 = tpu.vector_load_idx %arg11[%add3A_102, %add3A_155] : memref<256x128xf32, #tpu.memory_space<vmem>>[vector<16xi32>, vector<16xi32>], vector<16xf32>,
        %add3A_157 = arith.constant 5 : i32
        %add3A_158 = vector.broadcast %add3A_157 : i32 to vector<16xi32>
        %add3A_159 = arith.addi %mul3A_98, %add3A_158 : vector<16xi32>
        %gather3A_160 = tpu.vector_load_idx %arg12[%add3A_102, %add3A_159] : memref<256x128xf32, #tpu.memory_space<vmem>>[vector<16xi32>, vector<16xi32>], vector<16xf32>,
        %mul3A_161 = arith.mulf %gather3A_156, %gather3A_160 : vector<16xf32>
        %add3A_162 = arith.addf %add3A_152, %mul3A_161 : vector<16xf32>
        %add3A_163 = arith.constant 6 : i32
        %add3A_164 = vector.broadcast %add3A_163 : i32 to vector<16xi32>
        %add3A_165 = arith.addi %mul3A_90, %add3A_164 : vector<16xi32>
        %gather3A_166 = tpu.vector_load_idx %arg11[%add3A_102, %add3A_165] : memref<256x128xf32, #tpu.memory_space<vmem>>[vector<16xi32>, vector<16xi32>], vector<16xf32>,
        %add3A_167 = arith.constant 6 : i32
        %add3A_168 = vector.broadcast %add3A_167 : i32 to vector<16xi32>
        %add3A_169 = arith.addi %mul3A_98, %add3A_168 : vector<16xi32>
        %gather3A_170 = tpu.vector_load_idx %arg12[%add3A_102, %add3A_169] : memref<256x128xf32, #tpu.memory_space<vmem>>[vector<16xi32>, vector<16xi32>], vector<16xf32>,
        %mul3A_171 = arith.mulf %gather3A_166, %gather3A_170 : vector<16xf32>
        %add3A_172 = arith.addf %add3A_162, %mul3A_171 : vector<16xf32>
        %add3A_173 = arith.constant 7 : i32
        %add3A_174 = vector.broadcast %add3A_173 : i32 to vector<16xi32>
        %add3A_175 = arith.addi %mul3A_90, %add3A_174 : vector<16xi32>
        %gather3A_176 = tpu.vector_load_idx %arg11[%add3A_102, %add3A_175] : memref<256x128xf32, #tpu.memory_space<vmem>>[vector<16xi32>, vector<16xi32>], vector<16xf32>,
        %add3A_177 = arith.constant 7 : i32
        %add3A_178 = vector.broadcast %add3A_177 : i32 to vector<16xi32>
        %add3A_179 = arith.addi %mul3A_98, %add3A_178 : vector<16xi32>
        %gather3A_180 = tpu.vector_load_idx %arg12[%add3A_102, %add3A_179] : memref<256x128xf32, #tpu.memory_space<vmem>>[vector<16xi32>, vector<16xi32>], vector<16xf32>,
        %mul3A_181 = arith.mulf %gather3A_176, %gather3A_180 : vector<16xf32>
        %add3A_182 = arith.addf %add3A_172, %mul3A_181 : vector<16xf32>
        %add3A_183 = arith.constant 8 : i32
        %add3A_184 = vector.broadcast %add3A_183 : i32 to vector<16xi32>
        %add3A_185 = arith.addi %mul3A_90, %add3A_184 : vector<16xi32>
        %gather3A_186 = tpu.vector_load_idx %arg11[%add3A_102, %add3A_185] : memref<256x128xf32, #tpu.memory_space<vmem>>[vector<16xi32>, vector<16xi32>], vector<16xf32>,
        %add3A_187 = arith.constant 8 : i32
        %add3A_188 = vector.broadcast %add3A_187 : i32 to vector<16xi32>
        %add3A_189 = arith.addi %mul3A_98, %add3A_188 : vector<16xi32>
        %gather3A_190 = tpu.vector_load_idx %arg12[%add3A_102, %add3A_189] : memref<256x128xf32, #tpu.memory_space<vmem>>[vector<16xi32>, vector<16xi32>], vector<16xf32>,
        %mul3A_191 = arith.mulf %gather3A_186, %gather3A_190 : vector<16xf32>
        %add3A_192 = arith.addf %add3A_182, %mul3A_191 : vector<16xf32>
        %add3A_193 = arith.constant 9 : i32
        %add3A_194 = vector.broadcast %add3A_193 : i32 to vector<16xi32>
        %add3A_195 = arith.addi %mul3A_90, %add3A_194 : vector<16xi32>
        %gather3A_196 = tpu.vector_load_idx %arg11[%add3A_102, %add3A_195] : memref<256x128xf32, #tpu.memory_space<vmem>>[vector<16xi32>, vector<16xi32>], vector<16xf32>,
        %add3A_197 = arith.constant 9 : i32
        %add3A_198 = vector.broadcast %add3A_197 : i32 to vector<16xi32>
        %add3A_199 = arith.addi %mul3A_98, %add3A_198 : vector<16xi32>
        %gather3A_200 = tpu.vector_load_idx %arg12[%add3A_102, %add3A_199] : memref<256x128xf32, #tpu.memory_space<vmem>>[vector<16xi32>, vector<16xi32>], vector<16xf32>,
        %mul3A_201 = arith.mulf %gather3A_196, %gather3A_200 : vector<16xf32>
        %add3A_202 = arith.addf %add3A_192, %mul3A_201 : vector<16xf32>
        %add3A_203 = arith.constant 10 : i32
        %add3A_204 = vector.broadcast %add3A_203 : i32 to vector<16xi32>
        %add3A_205 = arith.addi %mul3A_90, %add3A_204 : vector<16xi32>
        %gather3A_206 = tpu.vector_load_idx %arg11[%add3A_102, %add3A_205] : memref<256x128xf32, #tpu.memory_space<vmem>>[vector<16xi32>, vector<16xi32>], vector<16xf32>,
        %add3A_207 = arith.constant 10 : i32
        %add3A_208 = vector.broadcast %add3A_207 : i32 to vector<16xi32>
        %add3A_209 = arith.addi %mul3A_98, %add3A_208 : vector<16xi32>
        %gather3A_210 = tpu.vector_load_idx %arg12[%add3A_102, %add3A_209] : memref<256x128xf32, #tpu.memory_space<vmem>>[vector<16xi32>, vector<16xi32>], vector<16xf32>,
        %mul3A_211 = arith.mulf %gather3A_206, %gather3A_210 : vector<16xf32>
        %add3A_212 = arith.addf %add3A_202, %mul3A_211 : vector<16xf32>
        %add3A_213 = arith.constant 11 : i32
        %add3A_214 = vector.broadcast %add3A_213 : i32 to vector<16xi32>
        %add3A_215 = arith.addi %mul3A_90, %add3A_214 : vector<16xi32>
        %gather3A_216 = tpu.vector_load_idx %arg11[%add3A_102, %add3A_215] : memref<256x128xf32, #tpu.memory_space<vmem>>[vector<16xi32>, vector<16xi32>], vector<16xf32>,
        %add3A_217 = arith.constant 11 : i32
        %add3A_218 = vector.broadcast %add3A_217 : i32 to vector<16xi32>
        %add3A_219 = arith.addi %mul3A_98, %add3A_218 : vector<16xi32>
        %gather3A_220 = tpu.vector_load_idx %arg12[%add3A_102, %add3A_219] : memref<256x128xf32, #tpu.memory_space<vmem>>[vector<16xi32>, vector<16xi32>], vector<16xf32>,
        %mul3A_221 = arith.mulf %gather3A_216, %gather3A_220 : vector<16xf32>
        %add3A_222 = arith.addf %add3A_212, %mul3A_221 : vector<16xf32>
        %add3A_223 = arith.constant 12 : i32
        %add3A_224 = vector.broadcast %add3A_223 : i32 to vector<16xi32>
        %add3A_225 = arith.addi %mul3A_90, %add3A_224 : vector<16xi32>
        %gather3A_226 = tpu.vector_load_idx %arg11[%add3A_102, %add3A_225] : memref<256x128xf32, #tpu.memory_space<vmem>>[vector<16xi32>, vector<16xi32>], vector<16xf32>,
        %add3A_227 = arith.constant 12 : i32
        %add3A_228 = vector.broadcast %add3A_227 : i32 to vector<16xi32>
        %add3A_229 = arith.addi %mul3A_98, %add3A_228 : vector<16xi32>
        %gather3A_230 = tpu.vector_load_idx %arg12[%add3A_102, %add3A_229] : memref<256x128xf32, #tpu.memory_space<vmem>>[vector<16xi32>, vector<16xi32>], vector<16xf32>,
        %mul3A_231 = arith.mulf %gather3A_226, %gather3A_230 : vector<16xf32>
        %add3A_232 = arith.addf %add3A_222, %mul3A_231 : vector<16xf32>
        %add3A_233 = arith.constant 13 : i32
        %add3A_234 = vector.broadcast %add3A_233 : i32 to vector<16xi32>
        %add3A_235 = arith.addi %mul3A_90, %add3A_234 : vector<16xi32>
        %gather3A_236 = tpu.vector_load_idx %arg11[%add3A_102, %add3A_235] : memref<256x128xf32, #tpu.memory_space<vmem>>[vector<16xi32>, vector<16xi32>], vector<16xf32>,
        %add3A_237 = arith.constant 13 : i32
        %add3A_238 = vector.broadcast %add3A_237 : i32 to vector<16xi32>
        %add3A_239 = arith.addi %mul3A_98, %add3A_238 : vector<16xi32>
        %gather3A_240 = tpu.vector_load_idx %arg12[%add3A_102, %add3A_239] : memref<256x128xf32, #tpu.memory_space<vmem>>[vector<16xi32>, vector<16xi32>], vector<16xf32>,
        %mul3A_241 = arith.mulf %gather3A_236, %gather3A_240 : vector<16xf32>
        %add3A_242 = arith.addf %add3A_232, %mul3A_241 : vector<16xf32>
        %add3A_243 = arith.constant 14 : i32
        %add3A_244 = vector.broadcast %add3A_243 : i32 to vector<16xi32>
        %add3A_245 = arith.addi %mul3A_90, %add3A_244 : vector<16xi32>
        %gather3A_246 = tpu.vector_load_idx %arg11[%add3A_102, %add3A_245] : memref<256x128xf32, #tpu.memory_space<vmem>>[vector<16xi32>, vector<16xi32>], vector<16xf32>,
        %add3A_247 = arith.constant 14 : i32
        %add3A_248 = vector.broadcast %add3A_247 : i32 to vector<16xi32>
        %add3A_249 = arith.addi %mul3A_98, %add3A_248 : vector<16xi32>
        %gather3A_250 = tpu.vector_load_idx %arg12[%add3A_102, %add3A_249] : memref<256x128xf32, #tpu.memory_space<vmem>>[vector<16xi32>, vector<16xi32>], vector<16xf32>,
        %mul3A_251 = arith.mulf %gather3A_246, %gather3A_250 : vector<16xf32>
        %add3A_252 = arith.addf %add3A_242, %mul3A_251 : vector<16xf32>
        %add3A_253 = arith.constant 15 : i32
        %add3A_254 = vector.broadcast %add3A_253 : i32 to vector<16xi32>
        %add3A_255 = arith.addi %mul3A_90, %add3A_254 : vector<16xi32>
        %gather3A_256 = tpu.vector_load_idx %arg11[%add3A_102, %add3A_255] : memref<256x128xf32, #tpu.memory_space<vmem>>[vector<16xi32>, vector<16xi32>], vector<16xf32>,
        %add3A_257 = arith.constant 15 : i32
        %add3A_258 = vector.broadcast %add3A_257 : i32 to vector<16xi32>
        %add3A_259 = arith.addi %mul3A_98, %add3A_258 : vector<16xi32>
        %gather3A_260 = tpu.vector_load_idx %arg12[%add3A_102, %add3A_259] : memref<256x128xf32, #tpu.memory_space<vmem>>[vector<16xi32>, vector<16xi32>], vector<16xf32>,
        %mul3A_261 = arith.mulf %gather3A_256, %gather3A_260 : vector<16xf32>
        %add3A_262 = arith.addf %add3A_252, %mul3A_261 : vector<16xf32>
        %add3A_263 = arith.constant 16 : i32
        %add3A_264 = vector.broadcast %add3A_263 : i32 to vector<16xi32>
        %add3A_265 = arith.addi %mul3A_90, %add3A_264 : vector<16xi32>
        %gather3A_266 = tpu.vector_load_idx %arg11[%add3A_102, %add3A_265] : memref<256x128xf32, #tpu.memory_space<vmem>>[vector<16xi32>, vector<16xi32>], vector<16xf32>,
        %add3A_267 = arith.constant 16 : i32
        %add3A_268 = vector.broadcast %add3A_267 : i32 to vector<16xi32>
        %add3A_269 = arith.addi %mul3A_98, %add3A_268 : vector<16xi32>
        %gather3A_270 = tpu.vector_load_idx %arg12[%add3A_102, %add3A_269] : memref<256x128xf32, #tpu.memory_space<vmem>>[vector<16xi32>, vector<16xi32>], vector<16xf32>,
        %mul3A_271 = arith.mulf %gather3A_266, %gather3A_270 : vector<16xf32>
        %add3A_272 = arith.addf %add3A_262, %mul3A_271 : vector<16xf32>
        %add3A_273 = arith.constant 17 : i32
        %add3A_274 = vector.broadcast %add3A_273 : i32 to vector<16xi32>
        %add3A_275 = arith.addi %mul3A_90, %add3A_274 : vector<16xi32>
        %gather3A_276 = tpu.vector_load_idx %arg11[%add3A_102, %add3A_275] : memref<256x128xf32, #tpu.memory_space<vmem>>[vector<16xi32>, vector<16xi32>], vector<16xf32>,
        %add3A_277 = arith.constant 17 : i32
        %add3A_278 = vector.broadcast %add3A_277 : i32 to vector<16xi32>
        %add3A_279 = arith.addi %mul3A_98, %add3A_278 : vector<16xi32>
        %gather3A_280 = tpu.vector_load_idx %arg12[%add3A_102, %add3A_279] : memref<256x128xf32, #tpu.memory_space<vmem>>[vector<16xi32>, vector<16xi32>], vector<16xf32>,
        %mul3A_281 = arith.mulf %gather3A_276, %gather3A_280 : vector<16xf32>
        %add3A_282 = arith.addf %add3A_272, %mul3A_281 : vector<16xf32>
        %add3A_283 = arith.constant 18 : i32
        %add3A_284 = vector.broadcast %add3A_283 : i32 to vector<16xi32>
        %add3A_285 = arith.addi %mul3A_90, %add3A_284 : vector<16xi32>
        %gather3A_286 = tpu.vector_load_idx %arg11[%add3A_102, %add3A_285] : memref<256x128xf32, #tpu.memory_space<vmem>>[vector<16xi32>, vector<16xi32>], vector<16xf32>,
        %add3A_287 = arith.constant 18 : i32
        %add3A_288 = vector.broadcast %add3A_287 : i32 to vector<16xi32>
        %add3A_289 = arith.addi %mul3A_98, %add3A_288 : vector<16xi32>
        %gather3A_290 = tpu.vector_load_idx %arg12[%add3A_102, %add3A_289] : memref<256x128xf32, #tpu.memory_space<vmem>>[vector<16xi32>, vector<16xi32>], vector<16xf32>,
        %mul3A_291 = arith.mulf %gather3A_286, %gather3A_290 : vector<16xf32>
        %add3A_292 = arith.addf %add3A_282, %mul3A_291 : vector<16xf32>
        %add3A_293 = arith.constant 19 : i32
        %add3A_294 = vector.broadcast %add3A_293 : i32 to vector<16xi32>
        %add3A_295 = arith.addi %mul3A_90, %add3A_294 : vector<16xi32>
        %gather3A_296 = tpu.vector_load_idx %arg11[%add3A_102, %add3A_295] : memref<256x128xf32, #tpu.memory_space<vmem>>[vector<16xi32>, vector<16xi32>], vector<16xf32>,
        %add3A_297 = arith.constant 19 : i32
        %add3A_298 = vector.broadcast %add3A_297 : i32 to vector<16xi32>
        %add3A_299 = arith.addi %mul3A_98, %add3A_298 : vector<16xi32>
        %gather3A_300 = tpu.vector_load_idx %arg12[%add3A_102, %add3A_299] : memref<256x128xf32, #tpu.memory_space<vmem>>[vector<16xi32>, vector<16xi32>], vector<16xf32>,
        %mul3A_301 = arith.mulf %gather3A_296, %gather3A_300 : vector<16xf32>
        %add3A_302 = arith.addf %add3A_292, %mul3A_301 : vector<16xf32>
        %add3A_303 = arith.constant 20 : i32
        %add3A_304 = vector.broadcast %add3A_303 : i32 to vector<16xi32>
        %add3A_305 = arith.addi %mul3A_90, %add3A_304 : vector<16xi32>
        %gather3A_306 = tpu.vector_load_idx %arg11[%add3A_102, %add3A_305] : memref<256x128xf32, #tpu.memory_space<vmem>>[vector<16xi32>, vector<16xi32>], vector<16xf32>,
        %add3A_307 = arith.constant 20 : i32
        %add3A_308 = vector.broadcast %add3A_307 : i32 to vector<16xi32>
        %add3A_309 = arith.addi %mul3A_98, %add3A_308 : vector<16xi32>
        %gather3A_310 = tpu.vector_load_idx %arg12[%add3A_102, %add3A_309] : memref<256x128xf32, #tpu.memory_space<vmem>>[vector<16xi32>, vector<16xi32>], vector<16xf32>,
        %mul3A_311 = arith.mulf %gather3A_306, %gather3A_310 : vector<16xf32>
        %add3A_312 = arith.addf %add3A_302, %mul3A_311 : vector<16xf32>
        %add3A_313 = arith.constant 21 : i32
        %add3A_314 = vector.broadcast %add3A_313 : i32 to vector<16xi32>
        %add3A_315 = arith.addi %mul3A_90, %add3A_314 : vector<16xi32>
        %gather3A_316 = tpu.vector_load_idx %arg11[%add3A_102, %add3A_315] : memref<256x128xf32, #tpu.memory_space<vmem>>[vector<16xi32>, vector<16xi32>], vector<16xf32>,
        %add3A_317 = arith.constant 21 : i32
        %add3A_318 = vector.broadcast %add3A_317 : i32 to vector<16xi32>
        %add3A_319 = arith.addi %mul3A_98, %add3A_318 : vector<16xi32>
        %gather3A_320 = tpu.vector_load_idx %arg12[%add3A_102, %add3A_319] : memref<256x128xf32, #tpu.memory_space<vmem>>[vector<16xi32>, vector<16xi32>], vector<16xf32>,
        %mul3A_321 = arith.mulf %gather3A_316, %gather3A_320 : vector<16xf32>
        %add3A_322 = arith.addf %add3A_312, %mul3A_321 : vector<16xf32>
        %add3A_323 = arith.constant 22 : i32
        %add3A_324 = vector.broadcast %add3A_323 : i32 to vector<16xi32>
        %add3A_325 = arith.addi %mul3A_90, %add3A_324 : vector<16xi32>
        %gather3A_326 = tpu.vector_load_idx %arg11[%add3A_102, %add3A_325] : memref<256x128xf32, #tpu.memory_space<vmem>>[vector<16xi32>, vector<16xi32>], vector<16xf32>,
        %add3A_327 = arith.constant 22 : i32
        %add3A_328 = vector.broadcast %add3A_327 : i32 to vector<16xi32>
        %add3A_329 = arith.addi %mul3A_98, %add3A_328 : vector<16xi32>
        %gather3A_330 = tpu.vector_load_idx %arg12[%add3A_102, %add3A_329] : memref<256x128xf32, #tpu.memory_space<vmem>>[vector<16xi32>, vector<16xi32>], vector<16xf32>,
        %mul3A_331 = arith.mulf %gather3A_326, %gather3A_330 : vector<16xf32>
        %add3A_332 = arith.addf %add3A_322, %mul3A_331 : vector<16xf32>
        %add3A_333 = arith.constant 23 : i32
        %add3A_334 = vector.broadcast %add3A_333 : i32 to vector<16xi32>
        %add3A_335 = arith.addi %mul3A_90, %add3A_334 : vector<16xi32>
        %gather3A_336 = tpu.vector_load_idx %arg11[%add3A_102, %add3A_335] : memref<256x128xf32, #tpu.memory_space<vmem>>[vector<16xi32>, vector<16xi32>], vector<16xf32>,
        %add3A_337 = arith.constant 23 : i32
        %add3A_338 = vector.broadcast %add3A_337 : i32 to vector<16xi32>
        %add3A_339 = arith.addi %mul3A_98, %add3A_338 : vector<16xi32>
        %gather3A_340 = tpu.vector_load_idx %arg12[%add3A_102, %add3A_339] : memref<256x128xf32, #tpu.memory_space<vmem>>[vector<16xi32>, vector<16xi32>], vector<16xf32>,
        %mul3A_341 = arith.mulf %gather3A_336, %gather3A_340 : vector<16xf32>
        %add3A_342 = arith.addf %add3A_332, %mul3A_341 : vector<16xf32>
        %add3A_343 = arith.constant 24 : i32
        %add3A_344 = vector.broadcast %add3A_343 : i32 to vector<16xi32>
        %add3A_345 = arith.addi %mul3A_90, %add3A_344 : vector<16xi32>
        %gather3A_346 = tpu.vector_load_idx %arg11[%add3A_102, %add3A_345] : memref<256x128xf32, #tpu.memory_space<vmem>>[vector<16xi32>, vector<16xi32>], vector<16xf32>,
        %add3A_347 = arith.constant 24 : i32
        %add3A_348 = vector.broadcast %add3A_347 : i32 to vector<16xi32>
        %add3A_349 = arith.addi %mul3A_98, %add3A_348 : vector<16xi32>
        %gather3A_350 = tpu.vector_load_idx %arg12[%add3A_102, %add3A_349] : memref<256x128xf32, #tpu.memory_space<vmem>>[vector<16xi32>, vector<16xi32>], vector<16xf32>,
        %mul3A_351 = arith.mulf %gather3A_346, %gather3A_350 : vector<16xf32>
        %add3A_352 = arith.addf %add3A_342, %mul3A_351 : vector<16xf32>
        %add3A_353 = arith.constant 25 : i32
        %add3A_354 = vector.broadcast %add3A_353 : i32 to vector<16xi32>
        %add3A_355 = arith.addi %mul3A_90, %add3A_354 : vector<16xi32>
        %gather3A_356 = tpu.vector_load_idx %arg11[%add3A_102, %add3A_355] : memref<256x128xf32, #tpu.memory_space<vmem>>[vector<16xi32>, vector<16xi32>], vector<16xf32>,
        %add3A_357 = arith.constant 25 : i32
        %add3A_358 = vector.broadcast %add3A_357 : i32 to vector<16xi32>
        %add3A_359 = arith.addi %mul3A_98, %add3A_358 : vector<16xi32>
        %gather3A_360 = tpu.vector_load_idx %arg12[%add3A_102, %add3A_359] : memref<256x128xf32, #tpu.memory_space<vmem>>[vector<16xi32>, vector<16xi32>], vector<16xf32>,
        %mul3A_361 = arith.mulf %gather3A_356, %gather3A_360 : vector<16xf32>
        %add3A_362 = arith.addf %add3A_352, %mul3A_361 : vector<16xf32>
        %add3A_363 = arith.constant 26 : i32
        %add3A_364 = vector.broadcast %add3A_363 : i32 to vector<16xi32>
        %add3A_365 = arith.addi %mul3A_90, %add3A_364 : vector<16xi32>
        %gather3A_366 = tpu.vector_load_idx %arg11[%add3A_102, %add3A_365] : memref<256x128xf32, #tpu.memory_space<vmem>>[vector<16xi32>, vector<16xi32>], vector<16xf32>,
        %add3A_367 = arith.constant 26 : i32
        %add3A_368 = vector.broadcast %add3A_367 : i32 to vector<16xi32>
        %add3A_369 = arith.addi %mul3A_98, %add3A_368 : vector<16xi32>
        %gather3A_370 = tpu.vector_load_idx %arg12[%add3A_102, %add3A_369] : memref<256x128xf32, #tpu.memory_space<vmem>>[vector<16xi32>, vector<16xi32>], vector<16xf32>,
        %mul3A_371 = arith.mulf %gather3A_366, %gather3A_370 : vector<16xf32>
        %add3A_372 = arith.addf %add3A_362, %mul3A_371 : vector<16xf32>
        %add3A_373 = arith.constant 27 : i32
        %add3A_374 = vector.broadcast %add3A_373 : i32 to vector<16xi32>
        %add3A_375 = arith.addi %mul3A_90, %add3A_374 : vector<16xi32>
        %gather3A_376 = tpu.vector_load_idx %arg11[%add3A_102, %add3A_375] : memref<256x128xf32, #tpu.memory_space<vmem>>[vector<16xi32>, vector<16xi32>], vector<16xf32>,
        %add3A_377 = arith.constant 27 : i32
        %add3A_378 = vector.broadcast %add3A_377 : i32 to vector<16xi32>
        %add3A_379 = arith.addi %mul3A_98, %add3A_378 : vector<16xi32>
        %gather3A_380 = tpu.vector_load_idx %arg12[%add3A_102, %add3A_379] : memref<256x128xf32, #tpu.memory_space<vmem>>[vector<16xi32>, vector<16xi32>], vector<16xf32>,
        %mul3A_381 = arith.mulf %gather3A_376, %gather3A_380 : vector<16xf32>
        %add3A_382 = arith.addf %add3A_372, %mul3A_381 : vector<16xf32>
        %add3A_383 = arith.constant 28 : i32
        %add3A_384 = vector.broadcast %add3A_383 : i32 to vector<16xi32>
        %add3A_385 = arith.addi %mul3A_90, %add3A_384 : vector<16xi32>
        %gather3A_386 = tpu.vector_load_idx %arg11[%add3A_102, %add3A_385] : memref<256x128xf32, #tpu.memory_space<vmem>>[vector<16xi32>, vector<16xi32>], vector<16xf32>,
        %add3A_387 = arith.constant 28 : i32
        %add3A_388 = vector.broadcast %add3A_387 : i32 to vector<16xi32>
        %add3A_389 = arith.addi %mul3A_98, %add3A_388 : vector<16xi32>
        %gather3A_390 = tpu.vector_load_idx %arg12[%add3A_102, %add3A_389] : memref<256x128xf32, #tpu.memory_space<vmem>>[vector<16xi32>, vector<16xi32>], vector<16xf32>,
        %mul3A_391 = arith.mulf %gather3A_386, %gather3A_390 : vector<16xf32>
        %add3A_392 = arith.addf %add3A_382, %mul3A_391 : vector<16xf32>
        %add3A_393 = arith.constant 29 : i32
        %add3A_394 = vector.broadcast %add3A_393 : i32 to vector<16xi32>
        %add3A_395 = arith.addi %mul3A_90, %add3A_394 : vector<16xi32>
        %gather3A_396 = tpu.vector_load_idx %arg11[%add3A_102, %add3A_395] : memref<256x128xf32, #tpu.memory_space<vmem>>[vector<16xi32>, vector<16xi32>], vector<16xf32>,
        %add3A_397 = arith.constant 29 : i32
        %add3A_398 = vector.broadcast %add3A_397 : i32 to vector<16xi32>
        %add3A_399 = arith.addi %mul3A_98, %add3A_398 : vector<16xi32>
        %gather3A_400 = tpu.vector_load_idx %arg12[%add3A_102, %add3A_399] : memref<256x128xf32, #tpu.memory_space<vmem>>[vector<16xi32>, vector<16xi32>], vector<16xf32>,
        %mul3A_401 = arith.mulf %gather3A_396, %gather3A_400 : vector<16xf32>
        %add3A_402 = arith.addf %add3A_392, %mul3A_401 : vector<16xf32>
        %add3A_403 = arith.constant 30 : i32
        %add3A_404 = vector.broadcast %add3A_403 : i32 to vector<16xi32>
        %add3A_405 = arith.addi %mul3A_90, %add3A_404 : vector<16xi32>
        %gather3A_406 = tpu.vector_load_idx %arg11[%add3A_102, %add3A_405] : memref<256x128xf32, #tpu.memory_space<vmem>>[vector<16xi32>, vector<16xi32>], vector<16xf32>,
        %add3A_407 = arith.constant 30 : i32
        %add3A_408 = vector.broadcast %add3A_407 : i32 to vector<16xi32>
        %add3A_409 = arith.addi %mul3A_98, %add3A_408 : vector<16xi32>
        %gather3A_410 = tpu.vector_load_idx %arg12[%add3A_102, %add3A_409] : memref<256x128xf32, #tpu.memory_space<vmem>>[vector<16xi32>, vector<16xi32>], vector<16xf32>,
        %mul3A_411 = arith.mulf %gather3A_406, %gather3A_410 : vector<16xf32>
        %add3A_412 = arith.addf %add3A_402, %mul3A_411 : vector<16xf32>
        %add3A_413 = arith.constant 31 : i32
        %add3A_414 = vector.broadcast %add3A_413 : i32 to vector<16xi32>
        %add3A_415 = arith.addi %mul3A_90, %add3A_414 : vector<16xi32>
        %gather3A_416 = tpu.vector_load_idx %arg11[%add3A_102, %add3A_415] : memref<256x128xf32, #tpu.memory_space<vmem>>[vector<16xi32>, vector<16xi32>], vector<16xf32>,
        %add3A_417 = arith.constant 31 : i32
        %add3A_418 = vector.broadcast %add3A_417 : i32 to vector<16xi32>
        %add3A_419 = arith.addi %mul3A_98, %add3A_418 : vector<16xi32>
        %gather3A_420 = tpu.vector_load_idx %arg12[%add3A_102, %add3A_419] : memref<256x128xf32, #tpu.memory_space<vmem>>[vector<16xi32>, vector<16xi32>], vector<16xf32>,
        %mul3A_421 = arith.mulf %gather3A_416, %gather3A_420 : vector<16xf32>
        %add3A_422 = arith.addf %add3A_412, %mul3A_421 : vector<16xf32>
        %neg3A = arith.constant 0.000000e+00 : f32
        %neg3A_423 = vector.broadcast %neg3A : f32 to vector<16xf32>
        %neg3A_424 = arith.subf %neg3A_423, %add3A_422 : vector<16xf32>
        %exp3A = math.exp %neg3A_424 : vector<16xf32>
        %add3A_425 = arith.constant 1.000000e+00 : f32
        %add3A_426 = vector.broadcast %add3A_425 : f32 to vector<16xf32>
        %add3A_427 = arith.addf %add3A_426, %exp3A : vector<16xf32>
        %div3A = arith.constant 1.000000e+00 : f32
        %div3A_428 = vector.broadcast %div3A : f32 to vector<16xf32>
        %div3A_429 = arith.divf %div3A_428, %add3A_427 : vector<16xf32>
        %swap3A = arith.index_cast %add3A_84 : i32 to index
        %swap3A_430 = tpu.vector_load %arg13[%swap3A] {strides = array<i32>} : memref<512xf32, #tpu.memory_space<vmem>>, vector<16xf32>,
        tpu.vector_store %arg13[%swap3A], %div3A_429 {strides = array<i32>} : memref<512xf32, #tpu.memory_space<vmem>>, vector<16xf32>,
      }
      %scan3A_80 = arith.constant 16 : i32
    }
    %scan3A_13 = arith.constant 2 : i32
    "tpu.region"() ({
      %run_scoped3A = tpu.sem_alloc : memref<!tpu.dma_semaphore, #tpu.memory_space<semaphore_mem>>
      %dma_start3A = tpu.memref_slice %arg6[%mul3A_2] : memref<16384xf32, #tpu.memory_space<hbm>> -> memref<512xf32, #tpu.memory_space<hbm>>
      %dma_start3A_14 = tpu.memref_slice %arg6[%mul3A_2] : memref<16384xf32, #tpu.memory_space<hbm>> -> memref<512xf32, #tpu.memory_space<hbm>>
      tpu.enqueue_dma source(%arg13 : memref<512xf32, #tpu.memory_space<vmem>>) target(%dma_start3A_14 : memref<512xf32, #tpu.memory_space<hbm>>) target_semaphore(%run_scoped3A : memref<!tpu.dma_semaphore, #tpu.memory_space<semaphore_mem>>)
      %dma_wait3A = tpu.memref_slice %arg6[%mul3A_2] : memref<16384xf32, #tpu.memory_space<hbm>> -> memref<512xf32, #tpu.memory_space<hbm>>
      %dma_wait3A_15 = tpu.memref_slice %arg6[%mul3A_2] : memref<16384xf32, #tpu.memory_space<hbm>> -> memref<512xf32, #tpu.memory_space<hbm>>
      tpu.wait_dma2 semaphore(%run_scoped3A : memref<!tpu.dma_semaphore, #tpu.memory_space<semaphore_mem>>) src(%arg13 : memref<512xf32, #tpu.memory_space<vmem>>) dst(%dma_wait3A_15 : memref<512xf32, #tpu.memory_space<hbm>>)
      tpu.yield
    }) : () -> ()
    return
  }
}

module attributes {stable_mosaic.version = 14 : i64} {
  func.func @body(%arg0: i32, %arg1: memref<32x8192xf32, #tpu.memory_space<vmem>>, %arg2: memref<32x8192xf32, #tpu.memory_space<vmem>>, %arg3: memref<32x8192xf32, #tpu.memory_space<vmem>>, %arg4: memref<32x8192xf32, #tpu.memory_space<vmem>>, %arg5: memref<8192x128xf32, #tpu.memory_space<vmem>>) attributes {dimension_semantics = [#tpu.dimension_semantics<arbitrary>], iteration_bounds = array<i64: 4>, scalar_prefetch = 0 : i64, scratch_operands = 0 : i64, tpu.core_type = #tpu.core_type<tc>, window_params = [{transform_indices = @transform_0, window_bounds = array<i64: 32, 8192>}, {transform_indices = @transform_1, window_bounds = array<i64: 32, 8192>}, {transform_indices = @transform_2, window_bounds = array<i64: 32, 8192>}, {transform_indices = @transform_3, window_bounds = array<i64: 32, 8192>}, {transform_indices = @transform_4, window_bounds = array<i64: 8192, 128>}]} {
    %get3A = arith.constant 0 : index
    %get3A_0 = arith.constant 0 : index
    %get3A_1 = vector.load %arg1[%get3A, %get3A_0] : memref<32x8192xf32, #tpu.memory_space<vmem>>, vector<32x8192xf32>
    %transpose3A = tpu.transpose %get3A_1, [1, 0] : vector<32x8192xf32> -> vector<8192x32xf32>
    %swap3A = arith.constant 0 : index
    %swap3A_2 = arith.constant 0 : index
    %swap3A_3 = vector.load %arg5[%swap3A, %swap3A_2] : memref<8192x128xf32, #tpu.memory_space<vmem>>, vector<8192x32xf32>
    tpu.vector_store %arg5[%swap3A, %swap3A_2], %transpose3A {strides = array<i32>} : memref<8192x128xf32, #tpu.memory_space<vmem>>, vector<8192x32xf32>,
    %get3A_4 = arith.constant 0 : index
    %get3A_5 = arith.constant 0 : index
    %get3A_6 = vector.load %arg2[%get3A_4, %get3A_5] : memref<32x8192xf32, #tpu.memory_space<vmem>>, vector<32x8192xf32>
    %transpose3A_7 = tpu.transpose %get3A_6, [1, 0] : vector<32x8192xf32> -> vector<8192x32xf32>
    %swap3A_8 = arith.constant 0 : index
    %swap3A_9 = arith.constant 32 : index
    %swap3A_10 = vector.load %arg5[%swap3A_8, %swap3A_9] : memref<8192x128xf32, #tpu.memory_space<vmem>>, vector<8192x32xf32>
    tpu.vector_store %arg5[%swap3A_8, %swap3A_9], %transpose3A_7 {strides = array<i32>} : memref<8192x128xf32, #tpu.memory_space<vmem>>, vector<8192x32xf32>,
    %get3A_11 = arith.constant 0 : index
    %get3A_12 = arith.constant 0 : index
    %get3A_13 = vector.load %arg3[%get3A_11, %get3A_12] : memref<32x8192xf32, #tpu.memory_space<vmem>>, vector<32x8192xf32>
    %transpose3A_14 = tpu.transpose %get3A_13, [1, 0] : vector<32x8192xf32> -> vector<8192x32xf32>
    %swap3A_15 = arith.constant 0 : index
    %swap3A_16 = arith.constant 64 : index
    %swap3A_17 = vector.load %arg5[%swap3A_15, %swap3A_16] : memref<8192x128xf32, #tpu.memory_space<vmem>>, vector<8192x32xf32>
    tpu.vector_store %arg5[%swap3A_15, %swap3A_16], %transpose3A_14 {strides = array<i32>} : memref<8192x128xf32, #tpu.memory_space<vmem>>, vector<8192x32xf32>,
    %get3A_18 = arith.constant 0 : index
    %get3A_19 = arith.constant 0 : index
    %get3A_20 = vector.load %arg4[%get3A_18, %get3A_19] : memref<32x8192xf32, #tpu.memory_space<vmem>>, vector<32x8192xf32>
    %transpose3A_21 = tpu.transpose %get3A_20, [1, 0] : vector<32x8192xf32> -> vector<8192x32xf32>
    %swap3A_22 = arith.constant 0 : index
    %swap3A_23 = arith.constant 96 : index
    %swap3A_24 = vector.load %arg5[%swap3A_22, %swap3A_23] : memref<8192x128xf32, #tpu.memory_space<vmem>>, vector<8192x32xf32>
    tpu.vector_store %arg5[%swap3A_22, %swap3A_23], %transpose3A_21 {strides = array<i32>} : memref<8192x128xf32, #tpu.memory_space<vmem>>, vector<8192x32xf32>,
    return
  }
  func.func @transform_0(%arg0: i32) -> (i32, i32) {
    %add3A = arith.constant 0 : i32
    %add3A_0 = arith.addi %arg0, %add3A : i32
    %min3A = arith.constant 12 : i32
    %min3A_1 = arith.minsi %add3A_0, %min3A : i32
    %c0_i32 = arith.constant 0 : i32
    %c0_i32_2 = arith.constant 0 : i32
    return %c0_i32, %min3A_1 : i32, i32
  }
  func.func @transform_1(%arg0: i32) -> (i32, i32) {
    %add3A = arith.constant 4 : i32
    %add3A_0 = arith.addi %arg0, %add3A : i32
    %min3A = arith.constant 12 : i32
    %min3A_1 = arith.minsi %add3A_0, %min3A : i32
    %c0_i32 = arith.constant 0 : i32
    %c0_i32_2 = arith.constant 0 : i32
    return %c0_i32, %min3A_1 : i32, i32
  }
  func.func @transform_2(%arg0: i32) -> (i32, i32) {
    %add3A = arith.constant 8 : i32
    %add3A_0 = arith.addi %arg0, %add3A : i32
    %min3A = arith.constant 12 : i32
    %min3A_1 = arith.minsi %add3A_0, %min3A : i32
    %c0_i32 = arith.constant 0 : i32
    %c0_i32_2 = arith.constant 0 : i32
    return %c0_i32, %min3A_1 : i32, i32
  }
  func.func @transform_3(%arg0: i32) -> (i32, i32) {
    %add3A = arith.constant 12 : i32
    %add3A_0 = arith.addi %arg0, %add3A : i32
    %min3A = arith.constant 12 : i32
    %min3A_1 = arith.minsi %add3A_0, %min3A : i32
    %c0_i32 = arith.constant 0 : i32
    %c0_i32_2 = arith.constant 0 : i32
    return %c0_i32, %min3A_1 : i32, i32
  }
  func.func @transform_4(%arg0: i32) -> (i32, i32) {
    %c0_i32 = arith.constant 0 : i32
    %c0_i32_0 = arith.constant 0 : i32
    return %arg0, %c0_i32 : i32, i32
  }
}

module attributes {stable_mosaic.version = 14 : i64} {
  func.func @body(%arg0: i32, %arg1: memref<32x8192xf32, #tpu.memory_space<vmem>>, %arg2: memref<32x8192xf32, #tpu.memory_space<vmem>>, %arg3: memref<32x8192xf32, #tpu.memory_space<vmem>>, %arg4: memref<32x8192xf32, #tpu.memory_space<vmem>>, %arg5: memref<8192x128xf32, #tpu.memory_space<vmem>>) attributes {dimension_semantics = [#tpu.dimension_semantics<arbitrary>], iteration_bounds = array<i64: 32>, scalar_prefetch = 0 : i64, scratch_operands = 0 : i64, tpu.core_type = #tpu.core_type<tc>, window_params = [{transform_indices = @transform_0, window_bounds = array<i64: 32, 8192>}, {transform_indices = @transform_1, window_bounds = array<i64: 32, 8192>}, {transform_indices = @transform_2, window_bounds = array<i64: 32, 8192>}, {transform_indices = @transform_3, window_bounds = array<i64: 32, 8192>}, {transform_indices = @transform_4, window_bounds = array<i64: 8192, 128>}]} {
    %get3A = arith.constant 0 : index
    %get3A_0 = arith.constant 0 : index
    %get3A_1 = vector.load %arg1[%get3A, %get3A_0] : memref<32x8192xf32, #tpu.memory_space<vmem>>, vector<32x8192xf32>
    %transpose3A = tpu.transpose %get3A_1, [1, 0] : vector<32x8192xf32> -> vector<8192x32xf32>
    %swap3A = arith.constant 0 : index
    %swap3A_2 = arith.constant 0 : index
    %swap3A_3 = vector.load %arg5[%swap3A, %swap3A_2] : memref<8192x128xf32, #tpu.memory_space<vmem>>, vector<8192x32xf32>
    tpu.vector_store %arg5[%swap3A, %swap3A_2], %transpose3A {strides = array<i32>} : memref<8192x128xf32, #tpu.memory_space<vmem>>, vector<8192x32xf32>,
    %get3A_4 = arith.constant 0 : index
    %get3A_5 = arith.constant 0 : index
    %get3A_6 = vector.load %arg2[%get3A_4, %get3A_5] : memref<32x8192xf32, #tpu.memory_space<vmem>>, vector<32x8192xf32>
    %transpose3A_7 = tpu.transpose %get3A_6, [1, 0] : vector<32x8192xf32> -> vector<8192x32xf32>
    %swap3A_8 = arith.constant 0 : index
    %swap3A_9 = arith.constant 32 : index
    %swap3A_10 = vector.load %arg5[%swap3A_8, %swap3A_9] : memref<8192x128xf32, #tpu.memory_space<vmem>>, vector<8192x32xf32>
    tpu.vector_store %arg5[%swap3A_8, %swap3A_9], %transpose3A_7 {strides = array<i32>} : memref<8192x128xf32, #tpu.memory_space<vmem>>, vector<8192x32xf32>,
    %get3A_11 = arith.constant 0 : index
    %get3A_12 = arith.constant 0 : index
    %get3A_13 = vector.load %arg3[%get3A_11, %get3A_12] : memref<32x8192xf32, #tpu.memory_space<vmem>>, vector<32x8192xf32>
    %transpose3A_14 = tpu.transpose %get3A_13, [1, 0] : vector<32x8192xf32> -> vector<8192x32xf32>
    %swap3A_15 = arith.constant 0 : index
    %swap3A_16 = arith.constant 64 : index
    %swap3A_17 = vector.load %arg5[%swap3A_15, %swap3A_16] : memref<8192x128xf32, #tpu.memory_space<vmem>>, vector<8192x32xf32>
    tpu.vector_store %arg5[%swap3A_15, %swap3A_16], %transpose3A_14 {strides = array<i32>} : memref<8192x128xf32, #tpu.memory_space<vmem>>, vector<8192x32xf32>,
    %get3A_18 = arith.constant 0 : index
    %get3A_19 = arith.constant 0 : index
    %get3A_20 = vector.load %arg4[%get3A_18, %get3A_19] : memref<32x8192xf32, #tpu.memory_space<vmem>>, vector<32x8192xf32>
    %transpose3A_21 = tpu.transpose %get3A_20, [1, 0] : vector<32x8192xf32> -> vector<8192x32xf32>
    %swap3A_22 = arith.constant 0 : index
    %swap3A_23 = arith.constant 96 : index
    %swap3A_24 = vector.load %arg5[%swap3A_22, %swap3A_23] : memref<8192x128xf32, #tpu.memory_space<vmem>>, vector<8192x32xf32>
    tpu.vector_store %arg5[%swap3A_22, %swap3A_23], %transpose3A_21 {strides = array<i32>} : memref<8192x128xf32, #tpu.memory_space<vmem>>, vector<8192x32xf32>,
    return
  }
  func.func @transform_0(%arg0: i32) -> (i32, i32) {
    %add3A = arith.constant 0 : i32
    %add3A_0 = arith.addi %arg0, %add3A : i32
    %min3A = arith.constant 122 : i32
    %min3A_1 = arith.minsi %add3A_0, %min3A : i32
    %c0_i32 = arith.constant 0 : i32
    %c0_i32_2 = arith.constant 0 : i32
    return %c0_i32, %min3A_1 : i32, i32
  }
  func.func @transform_1(%arg0: i32) -> (i32, i32) {
    %add3A = arith.constant 32 : i32
    %add3A_0 = arith.addi %arg0, %add3A : i32
    %min3A = arith.constant 122 : i32
    %min3A_1 = arith.minsi %add3A_0, %min3A : i32
    %c0_i32 = arith.constant 0 : i32
    %c0_i32_2 = arith.constant 0 : i32
    return %c0_i32, %min3A_1 : i32, i32
  }
  func.func @transform_2(%arg0: i32) -> (i32, i32) {
    %add3A = arith.constant 64 : i32
    %add3A_0 = arith.addi %arg0, %add3A : i32
    %min3A = arith.constant 122 : i32
    %min3A_1 = arith.minsi %add3A_0, %min3A : i32
    %c0_i32 = arith.constant 0 : i32
    %c0_i32_2 = arith.constant 0 : i32
    return %c0_i32, %min3A_1 : i32, i32
  }
  func.func @transform_3(%arg0: i32) -> (i32, i32) {
    %add3A = arith.constant 96 : i32
    %add3A_0 = arith.addi %arg0, %add3A : i32
    %min3A = arith.constant 122 : i32
    %min3A_1 = arith.minsi %add3A_0, %min3A : i32
    %c0_i32 = arith.constant 0 : i32
    %c0_i32_2 = arith.constant 0 : i32
    return %c0_i32, %min3A_1 : i32, i32
  }
  func.func @transform_4(%arg0: i32) -> (i32, i32) {
    %c0_i32 = arith.constant 0 : i32
    %c0_i32_0 = arith.constant 0 : i32
    return %arg0, %c0_i32 : i32, i32
  }
}

</mosaic_0001>

<sc_bundles>
// kernel: kernel.5.cloned.1.call-start
scs
__scs_entry_jumppad:
0x0: {  	(pc) =	sbr.rel $0x88, $3  }
0x1: {  	(tag) =	ssettag $0x0;
	lr =	simm.s32 $0x1  }
0x2: {  	[smem:$0x3F9D] =	sst lr;
	_ =	strace $0xD0000000  }
0x3: {  	_ = 	snop  }
0x4: {  	_ = 	snop  }
0x5: {  	_ = 	snop  }
0x6: {  	_ = 	snop  }
0x7: {  	_ = 	snop  }
__scs_overlays_trampoline_lowered:
0x8: {  	[smem:$0x3FAC] =	sst s0  }
0x9: {  	[smem:$0x3FAD] =	sst s1  }
0xa: {  	[smem:$0x3FAE] =	sst s2  }
0xb: {  	[smem:$0x3FAF] =	sst s3  }
0xc: {  	[smem:$0x3FB0] =	sst s4  }
0xd: {  	[smem:$0x3FB1] =	sst s5  }
0xe: {  	[smem:$0x3FB2] =	sst s6  }
0xf: {  	[smem:$0x3FB3] =	sst s7  }
0x10: {  	[smem:$0x3FB4] =	sst s8  }
0x11: {  	[smem:$0x3FB5] =	sst s9;
	s0 =	simm.s32 @!p0 $0x0  }
0x12: {  	s1 =	sld [smem:$0x3F9B];
	s0 =	simm.s32 @p0 $0x1  }
0x13: {  	[smem:$0x3FB6] =	sst s0;
	s0 =	simm.s32 @!p1 $0x0  }
0x14: {  	s2 =	sld [smem:$0x3F9A];
	s0 =	simm.s32 @p1 $0x1  }
0x15: {  	[smem:$0x3FB7] =	sst s0;
	s0 =	simm.s32 @!p2 $0x0  }
0x16: {  	s3 =	sld [smem:$0x3FDB];
	s0 =	simm.s32 @p2 $0x1  }
0x17: {  	s4 =	simm.s32 $0x1BF5;
	[smem:$0x3FB9] =	sst s0  }
0x18: {  	s0 =	sld [smem:$0x3F9C];
	_ =	swait.ge [sflag:s4], $0x0  }
0x19: {  	s7 =	sld [smem:$0x3F9D]  }
0x1a: {  	s8 =	sadd.s32 $0xFFFFE003, lr  }
0x1b: {  	s9 =	sadd.s32 $0xFFFFFEF7, lr;
	s5 =	simm.s32 $0xFFFFFFFF;
	p2 =	slt.u32 s8, $0xFFFFF086  }
0x1c: {  	p1 =	slt.u32 s9, $0xF7A;
	s5 =	simm.s32 @!p2 $0x0  }
0x1d: {  	s5 =	simm.s32 @p1 $0x1;
	p0 =	seq.s32 s7, s2  }
0x1e: {  	s7 =	smul.u32 @!p0 $0xF7A, s2;
	p2 =	seq.s32 @!p0 s5, $0x0  }
0x1f: {  	s9 =	smul.u32 $0xF7A, s1;
	s8 =	simm.s32 @!p0 $0x1BF5;
	p2 =	por !p2, p0  }
0x20: {  	[sflag:s8] =	ssyncset.s32 @!p0 $0xFFFFF086;
	s6 =	sadd.s32 @!p0 s3, s7;
	s7 =	simm.s32 @!p0 $0x108  }
0x21: {  	s3 =	sadd.s32 s3, s9;
	s6 =	sadd.s32 @!p0 $0x88, s6;
	s7 =	simm.s32 @p2 $0x1082  }
0x22: {  	[simem:s7], [sflag:s8] =	dma.local @!p0 [hbm:s6], $0xF7A  }
0x23: {  	s9 =	sor.u32 $0xD0000000, s2;
	s6 =	simm.s32 $0x108;
	_ =	swait.ge @!p0 [sflag:s8], $0x0  }
0x24: {  	s3 =	sadd.s32 $0x88, s3;
	s6 =	simm.s32 @!p1 $0x1082;
	[sflag:s4] =	ssyncset.s32 $0xFFFFF086  }
0x25: {  	[simem:s6], [sflag:s4] =	dma.local [hbm:s3], $0xF7A  }
0x26: {  	[smem:$0x3F9D] =	sst s1;
	(tag) =	ssettag s2;
	_ =	strace s9  }
0x27: {  	s1 =	sld [smem:$0x3FAD]  }
0x28: {  	s2 =	sld [smem:$0x3FAE]  }
0x29: {  	s4 =	sld [smem:$0x3FB0]  }
0x2a: {  	p0 =	seq.s32 s5, $0x0;
	s5 =	sld [smem:$0x3FB1]  }
0x2b: {  	s6 =	sld [smem:$0x3FB2]  }
0x2c: {  	s7 =	sld [smem:$0x3FB3]  }
0x2d: {  	s3 =	simm.s32 $0x108;
	s8 =	sld [smem:$0x3FB4]  }
0x2e: {  	s3 =	simm.s32 @!p0 $0x1082;
	s9 =	sld [smem:$0x3FB5]  }
0x2f: {  	lr =	sadd.s32 s0, s3;
	s0 =	sld [smem:$0x3FAC]  }
0x30: {  	s3 =	sld [smem:$0x3FAF]  }
0x31: {  	[smem:$0x3FB8] =	sst s10  }
0x32: {  	s10 =	sld [smem:$0x3FB6];
	_ =	sdelay $0x3  }
0x33: {  	p0 =	seq.s32 s10, $0x1;
	s10 =	sld [smem:$0x3FB8];
	_ =	sdelay $0x3  }
0x34: {  	[smem:$0x3FB8] =	sst s10  }
0x35: {  	s10 =	sld [smem:$0x3FB7];
	_ =	sdelay $0x3  }
0x36: {  	p1 =	seq.s32 s10, $0x1;
	s10 =	sld [smem:$0x3FB8];
	_ =	sdelay $0x3  }
0x37: {  	[smem:$0x3FB8] =	sst s10  }
0x38: {  	s10 =	sld [smem:$0x3FB9]  }
0x39: {  	_ = 	snop;
	(pc) =	sbr.ind lr, $3  }
0x3a: {  	_ = 	snop  }
0x3b: {  	_ = 	snop  }
0x3c: {  	p2 =	seq.s32 s10, $0x1;
	s10 =	sld [smem:$0x3FB8]  }
0x3d: {  	_ =	shalt  }
0x3e: {  	_ =	shalt  }
0x3f: {  	_ =	shalt  }
0x40: {  	_ =	shalt  }
0x41: {  	_ =	shalt  }
0x42: {  	_ =	shalt  }
0x43: {  	_ =	shalt  }
0x44: {  	_ =	shalt  }
0x45: {  	_ =	shalt  }
0x46: {  	_ =	shalt  }
0x47: {  	_ =	shalt  }
0x48: {  	_ =	shalt  }
0x49: {  	_ =	shalt  }
0x4a: {  	_ =	shalt  }
0x4b: {  	_ =	shalt  }
0x4c: {  	_ =	shalt  }
0x4d: {  	_ =	shalt  }
0x4e: {  	_ =	shalt  }
0x4f: {  	_ =	shalt  }
0x50: {  	_ =	shalt  }
0x51: {  	_ =	shalt  }
0x52: {  	_ =	shalt  }
0x53: {  	_ =	shalt  }
0x54: {  	_ =	shalt  }
0x55: {  	_ =	shalt  }
0x56: {  	_ =	shalt  }
0x57: {  	_ =	shalt  }
0x58: {  	_ =	shalt  }
0x59: {  	_ =	shalt  }
0x5a: {  	_ =	shalt  }
0x5b: {  	_ =	shalt  }
0x5c: {  	_ =	shalt  }
0x5d: {  	_ =	shalt  }
0x5e: {  	_ =	shalt  }
0x5f: {  	_ =	shalt  }
0x60: {  	_ =	shalt  }
0x61: {  	_ =	shalt  }
0x62: {  	_ =	shalt  }
0x63: {  	_ =	shalt  }
0x64: {  	_ =	shalt  }
0x65: {  	_ =	shalt  }
0x66: {  	_ =	shalt  }
0x67: {  	_ =	shalt  }
0x68: {  	_ =	shalt  }
0x69: {  	_ =	shalt  }
0x6a: {  	_ =	shalt  }
0x6b: {  	_ =	shalt  }
0x6c: {  	_ =	shalt  }
0x6d: {  	_ =	shalt  }
0x6e: {  	_ =	shalt  }
0x6f: {  	_ =	shalt  }
0x70: {  	_ =	shalt  }
0x71: {  	_ =	shalt  }
0x72: {  	_ =	shalt  }
0x73: {  	_ =	shalt  }
0x74: {  	_ =	shalt  }
0x75: {  	_ =	shalt  }
0x76: {  	_ =	shalt  }
0x77: {  	_ =	shalt  }
0x78: {  	_ =	shalt  }
0x79: {  	_ =	shalt  }
0x7a: {  	_ =	shalt  }
0x7b: {  	_ =	shalt  }
0x7c: {  	_ =	shalt  }
0x7d: {  	_ =	shalt  }
0x7e: {  	_ =	shalt  }
0x7f: {  	_ =	shalt  }
0x80: {  	_ =	shalt  }
0x81: {  	_ =	shalt  }
0x82: {  	_ =	shalt  }
0x83: {  	_ =	shalt  }
0x84: {  	_ =	shalt  }
0x85: {  	_ =	shalt  }
0x86: {  	_ =	shalt  }
0x87: {  	_ =	shalt  }
.Lfunc_end0:
.L_simem_size_0:
called_computation_lowered:
.L_overlay_start_0:
0x88: {  	s2 =	sld [smem:$0x3FD9]  }
0x89: {  	s3 =	sld [smem:$0x3FFE];
	_ =	sdelay $0x1  }
0x8a: {  	s1 =	srdreg.scid  }
0x8b: {  	s0 =	sand.u32 $0x1, s1  }
0x8c: {  	s17 =	sshll.u32 s0, $0xA;
	s2 =	sadd.s32 s3, s2  }
0x8d: {  	s2 =	sadd.s32 s2, s17  }
0x8e: {  	[smem:$0x3FC4] =	sst s2  }
0x8f: {  	_ = 	snop  }
0x90: {  	s2 =	sld [smem:$0x3FC9]  }
0x91: {  	s18 =	sld [smem:$0x3FC8]  }
0x92: {  	s4 =	sld [smem:$0x3FD0];
	(tm) =	ssettm $0x1  }
0x93: {  	s5 =	sld [smem:$0x3FFB];
	_ =	sdelay $0x3  }
0x94: {  	_ =	strace s5  }
0x95: {  	s5 =	sld [smem:$0x3FFC];
	_ =	sdelay $0x3  }
0x96: {  	_ =	strace s5  }
0x97: {  	s5 =	sld [smem:$0x3FFD];
	_ =	sdelay $0x3  }
0x98: {  	_ =	strace s5  }
0x99: {  	_ =	strace $0x8FFFFFFF  }
0x9a: {  	s19 =	sld [smem:$0x3FDB];
	_ =	sdelay $0x1  }
0x9b: {  	s6 =	simm.s32 $_scs_section_size  }
0x9c: {  	s7 =	simm.s32 $_size__tile_overlayer_lowered;
	s8 =	simm.s32 $_tile_overlayer_lowered  }
0x9d: {  	s22 =	simm.s32 $0x1BFF;
	s21 =	sshll.u32 s8, $0x1;
	s5 =	sadd.s32 s6, s19  }
0x9e: {  	s9 =	simm.s32 $0x0;
	s20 =	sshll.u32 s7, $0x1;
	s7 =	sadd.s32 s21, s5  }
0x9f: {  	[timem:s9], [sflag:s22] =	dma.local [hbm:s7], s20  }
0xa0: {  	_ =	swait.ge [sflag:s22], s20  }
0xa1: {  	s6 =	ssub.s32 $0x0, s20;
	[sflag:s22] =	ssyncset.done $0x0  }
0xa2: {  	[sflag:s22] =	ssyncadd.s32 s6;
	_ =	sdelay $0x1  }
0xa3: {  	s23 =	simm.s32 $0x1B8B  }
0xa4: {  	_ =	swait.ge [sflag:s23], $0x1  }
0xa5: {  	[sflag:s23] =	ssyncset.done $0x0  }
0xa6: {  	s25 =	simm.s32 $0x1B8E;
	s24 =	sld [smem:$0x3FFE];
	[sflag:s23] =	ssyncadd.s32 $0xFFFFFFFF  }
0xa7: {  	s26 =	simm.s32 $execute0_lowered;
	[smem:$0x3FD2] =	sst s25  }
0xa8: {  	s7 =	sshll.u32 s26, $0x1;
	_ =	strace $0x80000046;
	[dreg:$0x1] =	wrdreg $0xFFFFFFFF  }
0xa9: {  	s28 =	simm.s32 $_size_execute0_lowered;
	s5 =	sadd.s32 s5, s7;
	[dreg:$0x0] =	wrdreg $0x0  }
0xaa: {  	s7 =	sshll.u32 s28, $0x1;
	[dreg:$0x2] =	wrdreg s5  }
0xab: {  	[dreg:$0x3] =	wrdreg s7  }
0xac: {  	[dreg:$0x4] =	wrdreg $0xC0  }
0xad: {  	_ =	task [dreg:s9], $0x5FFFF  }
0xae: {  	[dreg:$0x1] =	wrdreg $0xFFFFFFFF  }
0xaf: {  	[dreg:$0x0] =	wrdreg $0x60  }
0xb0: {  	[dreg:$0x2] =	wrdreg s2  }
0xb1: {  	[dreg:$0x3] =	wrdreg s18  }
0xb2: {  	[dreg:$0x4] =	wrdreg s24  }
0xb3: {  	[dreg:$0x5] =	wrdreg s4  }
0xb4: {  	[dreg:$0x6] =	wrdreg $0x9  }
0xb5: {  	_ =	task.clear_ibuf [dreg:s9], $0x7FFFF;
	_ =	strace $0x90000046  }
0xb6: {  	s29 =	simm.s32 $0x9;
	_ =	strace $0x80000048  }
0xb7: {  	_ =	swait.ge [sflag:s29], $0x1  }
0xb8: {  	[sflag:s29] =	ssyncadd.s32 $0xFFFFFFFF  }
0xb9: {  	_ =	strace $0x90000048  }
0xba: {  	_ =	sfence  }
0xbb: {  	s30 =	sld [smem:$0x0];
	_ =	sdelay $0x2  }
0xbc: {  	s31 =	sshll.u32 s1, $0xD;
	s1 =	sshrl.u32 s1, $0x2  }
0xbd: {  	s3 =	sand.u32 $0x4000, s31;
	s1 =	sadd.s32 s1, s30  }
0xbe: {  	s0 =	sor.u32 s3, s0;
	s1 =	sshll.u32 s1, $0x11  }
0xbf: {  	s0 =	sor.u32 s1, s0  }
0xc0: {  	s0 =	sadd.s32 $0x8F2B, s0  }
0xc1: {  	[sflag:s0] =	ssyncadd.remote.s32 $0x1  }
0xc2: {  	_ =	sfence.sel $0xFFFF  }
0xc3: {  	[dreg:$0x0] =	wrdreg $0xFFFFFFFF;
	(pc) =	sbr.abs _section_cstart, $3  }
0xc4: {  	[dreg:$0x1] =	wrdreg $0xFFFFFFFF  }
0xc5: {  	_ =	task.clear_ibuf [dreg:s9], $0x2FFFF;
	_ =	strace $0x9FFFFFFF  }
0xc6: {  	(tm) =	ssettm $0x7FFFFFFF  }
0xc7: {  	_ =	shalt  }
tec
execute0_lowered:
.L_overlay_start_1:
0x0: {  	(tag) =	ssettag $0x1  }
0x1: {  	s5 =	rddreg [dreg:$0x0]  }
0x2: {  	s6 =	rddreg [dreg:$0x1]  }
0x3: {  	s4 =	rddreg [dreg:$0x2]  }
0x4: {  	s7 =	rddreg [dreg:$0x3]  }
0x5: {  	s0 =	rddreg [dreg:$0x4];
	s1 =	simm.s32 $0x0  }
0x6: {  	s8 =	srdreg.scid;
	s2 =	stileid.u32;
	s12 =	simm.s32 $0x800  }
0x7: {  	s13 =	simm.s32 $0x8800;
	s14 =	simm.s32 $0x4800;
	s15 =	simm.s32 $0xC800  }
0x8: {  	s16 =	simm.s32 $0x1;
	s17 =	simm.s32 $0x10800;
	s18 =	simm.s32 $0x0  }
0x9: {  	[smem:$0x7FF] =	sst s1;
	s3 =	sadd.s32 $0x80600, s4;
	s8 =	sand.u32 $0x1, s8  }
0xa: {  	s10 =	sshll.u32 s2, $0x7;
	s4 =	sadd.s32 $0x600, s4;
	s9 =	ssub.s32 $0x2, s8  }
0xb: {  	_ =	strace $0x80000047;
	s8 =	sshll.u32 s8, $0x6;
	s11 =	sshrl.u32 s9, $0x1  }
0xc: {  	s8 =	sor.u32 s8, s10;
	s10 =	simm.s32 $0x200;
	s9 =	ssub.s32 s9, s11  }
0xd: {  	v0 =	vlaneseq.u32;
	s5 =	sadd.s32 s5, s8;
	s6 =	sadd.s32 s6, s8;
	s7 =	sadd.s32 s7, s8  }
0xe: {  	v0 =	vmul.u32 $0x80, v0;
	s11 =	simm.s32 $0x80;
	s8 =	smax.u32 s9, $0x1;
	s9 =	simm.s32 $0x2  }
.LBB2_1:
0xf: {  	[tilespmem:s1], [sflag:$0x2] =	stream.linear.gather [hbm4b:s5+s1], $0x200, $0x38;
	[tilespmem:$0x10A00] =	vst v63  }
0x10: {  	_ =	swait.ge [sflag:s9], $0x200  }
0x11: {  	[sflag:s9] =	ssyncset.done $0x0  }
0x12: {  	[sflag:s9] =	ssyncadd.s32 $0xFFFFFE00  }
0x13: {  	[tilespmem:s10], [sflag:$0x2] =	stream.linear.gather [hbm4b:s6+s1], $0x200, $0x38;
	[tilespmem:$0x10A00] =	vst v63  }
0x14: {  	_ =	swait.ge [sflag:s9], $0x200  }
0x15: {  	[sflag:s9] =	ssyncset.done $0x0  }
0x16: {  	s19 =	simm.s32 $0x0;
	[sflag:s9] =	ssyncadd.s32 $0xFFFFFE00  }
0x17: {  	v1 =	vld [tilespmem:s19+$0x200]  }
0x18: {  	s20 =	simm.s32 $0x40;
	v2 =	vld [tilespmem:s19+$0x0]  }
.LBB2_2:
0x19: {  	p0 =	sne.s32 s20, $0x7C0  }
.Ltmp0:
0x1a: {  	_ = 	snop;
	(pc) =	sbr.rel @p0 .LBB2_2-.Ltmp0, $4  }
0x1b: {  	_ = 	snop  }
0x1c: {  	s21 =	sshra.s32 s20, $0x2;
	s20 =	sadd.s32 $0x40, s20;
	v3 =	vand.u32 $0x7FFF, v1  }
0x1d: {  	v1 =	vld [tilespmem:s21+$0x200];
	v4 =	vand.u32 $0x3FFFF, v2;
	[tilespmem:s19+$0x600] =	vst v3  }
0x1e: {  	v2 =	vld [tilespmem:s21+$0x0];
	[tilespmem:s19+$0x400] =	vst v4;
	s19 =	smov.u32 s21  }
0x1f: {  	_ =	sdelay $0x2  }
0x20: {  	v1 =	vand.u32 $0x7FFF, v1  }
0x21: {  	v2 =	vand.u32 $0x3FFFF, v2;
	[tilespmem:s19+$0x600] =	vst v1  }
0x22: {  	p1 =	por $0x1, $0x1;
	s20 =	simm.s32 $0x0;
	[tilespmem:s19+$0x400] =	vst v2;
	s19 =	simm.s32 $0x0  }
.LBB2_4:
0x23: {  	s21 =	sadd.s32 $0x400, s20  }
0x24: {  	[tilespmem:s12], [sflag:$0x1] =	stream.indirect.gather [hbm4b:s3+s11], $0x80, s21, s11, $0xb8;
	[tilespmem:$0x10A00] =	vst v63  }
0x25: {  	s26 =	sadd.s32 $0x600, s20  }
0x26: {  	[tilespmem:s13], [sflag:$0x1] =	stream.indirect.gather [hbm4b:s4+s11], $0x80, s26, s11, $0xb8;
	[tilespmem:$0x10A00] =	vst v63  }
0x27: {  	s28 =	sadd.s32 $0x480, s20  }
0x28: {  	[tilespmem:s14], [sflag:$0x1] =	stream.indirect.gather [hbm4b:s3+s11], $0x80, s28, s11, $0xb8;
	[tilespmem:$0x10A00] =	vst v63  }
0x29: {  	s29 =	sadd.s32 $0x680, s20  }
0x2a: {  	[tilespmem:s15], [sflag:$0x1] =	stream.indirect.gather [hbm4b:s4+s11], $0x80, s29, s11, $0xb8;
	[tilespmem:$0x10A00] =	vst v63  }
0x2b: {  	_ =	swait.ge [sflag:s16], $0x4000  }
0x2c: {  	[sflag:s16] =	ssyncset.done $0x0  }
0x2d: {  	[sflag:s16] =	ssyncadd.s32 $0xFFFFC000  }
0x2e: {  	_ =	swait.ge [sflag:s16], $0x4000  }
0x2f: {  	[sflag:s16] =	ssyncset.done $0x0  }
0x30: {  	[sflag:s16] =	ssyncadd.s32 $0xFFFFC000  }
0x31: {  	_ =	swait.ge [sflag:s16], $0x4000  }
0x32: {  	[sflag:s16] =	ssyncset.done $0x0  }
0x33: {  	[sflag:s16] =	ssyncadd.s32 $0xFFFFC000  }
0x34: {  	_ =	swait.ge [sflag:s16], $0x4000  }
0x35: {  	s30 =	sshll.u32 s20, $0x2;
	[sflag:s16] =	ssyncset.done $0x0  }
0x36: {  	s31 =	sshra.s32 s30, $0x2;
	[sflag:s16] =	ssyncadd.s32 $0xFFFFC000  }
0x37: {  	s22 =	sadd.s32 $0x200, s31;
	v1 =	vld [tilespmem:s31+$0x0]  }
0x38: {  	v2 =	vld [tilespmem:s22+$0x0];
	_ =	sdelay $0x2  }
0x39: {  	v3 =	vmov s19  }
0x3a: {  	v3 =	vshll.u32 v3, $0x7;
	v1 =	vshra.s32 v1, $0xD  }
0x3b: {  	v3 =	vor.u32 v0, v3;
	v2 =	vshra.s32 v2, $0xA;
	v1 =	vand.u32 $0xFFFFFFE0, v1  }
0x3c: {  	v4 =	vand.u32 $0xFFFFFFE0, v2;
	v2 =	vadd.s32 v3, v1  }
0x3d: {  	v1 =	vadd.s32 v3, v4  }
0x3e: {  	v3 =	vor.u32 $0x1, v2  }
0x3f: {  	v4 =	vor.u32 $0x1, v1  }
0x40: {  	v5 =	vor.u32 $0x2, v2  }
0x41: {  	v7 =	vor.u32 $0x2, v1;
	v6 =	vld.idx.msk [tilespmem:v2+s12+$0x0], $0xffff  }
0x42: {  	v9 =	vor.u32 $0x3, v2;
	v8 =	vld.idx.msk [tilespmem:v1+s13+$0x0], $0xffff  }
0x43: {  	v10 =	vor.u32 $0x3, v1;
	v3 =	vld.idx.msk [tilespmem:v3+s12+$0x0], $0xffff  }
0x44: {  	v11 =	vor.u32 $0x4, v2;
	v4 =	vld.idx.msk [tilespmem:v4+s13+$0x0], $0xffff  }
0x45: {  	v12 =	vor.u32 $0x4, v1;
	v5 =	vld.idx.msk [tilespmem:v5+s12+$0x0], $0xffff  }
0x46: {  	v13 =	vor.u32 $0x5, v2;
	v7 =	vld.idx.msk [tilespmem:v7+s13+$0x0], $0xffff  }
0x47: {  	v14 =	vor.u32 $0x5, v1;
	v9 =	vld.idx.msk [tilespmem:v9+s12+$0x0], $0xffff;
	v6 =	vmul.f32 v8, v6  }
0x48: {  	v49 =	vor.u32 $0x6, v2;
	v48 =	vld.idx.msk [tilespmem:v10+s13+$0x0], $0xffff  }
0x49: {  	v15 =	vor.u32 $0x6, v1;
	v11 =	vld.idx.msk [tilespmem:v11+s12+$0x0], $0xffff;
	v3 =	vmul.f32 v4, v3;
	v6 =	vadd.f32 $0.0e+00, v6  }
0x4a: {  	v51 =	vor.u32 $0x7, v2;
	v50 =	vld.idx.msk [tilespmem:v12+s13+$0x0], $0xffff  }
0x4b: {  	v16 =	vor.u32 $0x7, v1;
	v13 =	vld.idx.msk [tilespmem:v13+s12+$0x0], $0xffff;
	v5 =	vmul.f32 v7, v5;
	v3 =	vadd.f32 v3, v6  }
0x4c: {  	v54 =	vor.u32 $0x8, v1;
	v52 =	vld.idx.msk [tilespmem:v14+s13+$0x0], $0xffff  }
0x4d: {  	v53 =	vor.u32 $0x8, v2;
	v10 =	vld.idx.msk [tilespmem:v49+s12+$0x0], $0xffff;
	v55 =	vmul.f32 v48, v9;
	v3 =	vadd.f32 v5, v3  }
0x4e: {  	v58 =	vor.u32 $0x9, v1;
	v56 =	vld.idx.msk [tilespmem:v15+s13+$0x0], $0xffff  }
0x4f: {  	v57 =	vor.u32 $0x9, v2;
	v12 =	vld.idx.msk [tilespmem:v51+s12+$0x0], $0xffff;
	v4 =	vmul.f32 v50, v11;
	v3 =	vadd.f32 v55, v3  }
0x50: {  	v61 =	vor.u32 $0xA, v1;
	v59 =	vld.idx.msk [tilespmem:v16+s13+$0x0], $0xffff  }
0x51: {  	v60 =	vor.u32 $0xA, v2;
	v63 =	vld.idx.msk [tilespmem:v54+s13+$0x0], $0xffff;
	v62 =	vmul.f32 v52, v13;
	v3 =	vadd.f32 v4, v3  }
0x52: {  	v20 =	vor.u32 $0xB, v1;
	v7 =	vld.idx.msk [tilespmem:v53+s12+$0x0], $0xffff  }
0x53: {  	v19 =	vor.u32 $0xB, v2;
	v22 =	vld.idx.msk [tilespmem:v58+s13+$0x0], $0xffff;
	v21 =	vmul.f32 v56, v10;
	v3 =	vadd.f32 v62, v3  }
0x54: {  	v24 =	vor.u32 $0xC, v1;
	v9 =	vld.idx.msk [tilespmem:v57+s12+$0x0], $0xffff  }
0x55: {  	v23 =	vor.u32 $0xC, v2;
	v26 =	vld.idx.msk [tilespmem:v61+s13+$0x0], $0xffff;
	v25 =	vmul.f32 v59, v12;
	v3 =	vadd.f32 v21, v3  }
0x56: {  	v28 =	vor.u32 $0xD, v1;
	v11 =	vld.idx.msk [tilespmem:v60+s12+$0x0], $0xffff  }
0x57: {  	v27 =	vor.u32 $0xD, v2;
	v30 =	vld.idx.msk [tilespmem:v20+s13+$0x0], $0xffff;
	v29 =	vmul.f32 v63, v7;
	v3 =	vadd.f32 v25, v3  }
0x58: {  	v32 =	vor.u32 $0xE, v1;
	v13 =	vld.idx.msk [tilespmem:v19+s12+$0x0], $0xffff  }
0x59: {  	v31 =	vor.u32 $0xE, v2;
	v34 =	vld.idx.msk [tilespmem:v24+s13+$0x0], $0xffff;
	v33 =	vmul.f32 v22, v9;
	v3 =	vadd.f32 v29, v3  }
0x5a: {  	v36 =	vor.u32 $0xF, v1;
	v10 =	vld.idx.msk [tilespmem:v23+s12+$0x0], $0xffff  }
0x5b: {  	v35 =	vor.u32 $0xF, v2;
	v38 =	vld.idx.msk [tilespmem:v28+s13+$0x0], $0xffff;
	v37 =	vmul.f32 v26, v11;
	v3 =	vadd.f32 v33, v3  }
0x5c: {  	v40 =	vor.u32 $0x10, v1;
	v12 =	vld.idx.msk [tilespmem:v27+s12+$0x0], $0xffff  }
0x5d: {  	v39 =	vor.u32 $0x10, v2;
	v42 =	vld.idx.msk [tilespmem:v32+s13+$0x0], $0xffff;
	v41 =	vmul.f32 v30, v13;
	v3 =	vadd.f32 v37, v3  }
0x5e: {  	v44 =	vor.u32 $0x11, v1;
	v7 =	vld.idx.msk [tilespmem:v31+s12+$0x0], $0xffff  }
0x5f: {  	v43 =	vor.u32 $0x11, v2;
	v46 =	vld.idx.msk [tilespmem:v36+s13+$0x0], $0xffff;
	v45 =	vmul.f32 v34, v10;
	v3 =	vadd.f32 v41, v3  }
0x60: {  	v47 =	vor.u32 $0x12, v2;
	v9 =	vld.idx.msk [tilespmem:v35+s12+$0x0], $0xffff  }
0x61: {  	v48 =	vor.u32 $0x12, v1;
	v50 =	vld.idx.msk [tilespmem:v40+s13+$0x0], $0xffff;
	v49 =	vmul.f32 v38, v12;
	v3 =	vadd.f32 v45, v3  }
0x62: {  	v51 =	vor.u32 $0x13, v2;
	v11 =	vld.idx.msk [tilespmem:v39+s12+$0x0], $0xffff  }
0x63: {  	v54 =	vld.idx.msk [tilespmem:v44+s13+$0x0], $0xffff;
	v52 =	vor.u32 $0x13, v1;
	v53 =	vmul.f32 v42, v7;
	v3 =	vadd.f32 v49, v3  }
0x64: {  	v56 =	vor.u32 $0x14, v1;
	v13 =	vld.idx.msk [tilespmem:v43+s12+$0x0], $0xffff  }
0x65: {  	v10 =	vld.idx.msk [tilespmem:v47+s12+$0x0], $0xffff;
	v55 =	vor.u32 $0x14, v2;
	v57 =	vmul.f32 v46, v9;
	v3 =	vadd.f32 v53, v3  }
0x66: {  	v60 =	vor.u32 $0x15, v1;
	v58 =	vld.idx.msk [tilespmem:v48+s13+$0x0], $0xffff  }
0x67: {  	v59 =	vor.u32 $0x15, v2;
	v12 =	vld.idx.msk [tilespmem:v51+s12+$0x0], $0xffff;
	v61 =	vmul.f32 v50, v11;
	v3 =	vadd.f32 v57, v3  }
0x68: {  	v20 =	vor.u32 $0x16, v1;
	v62 =	vld.idx.msk [tilespmem:v52+s13+$0x0], $0xffff  }
0x69: {  	v63 =	vor.u32 $0x16, v2;
	v22 =	vld.idx.msk [tilespmem:v56+s13+$0x0], $0xffff;
	v21 =	vmul.f32 v54, v13;
	v3 =	vadd.f32 v61, v3  }
0x6a: {  	v24 =	vor.u32 $0x17, v1;
	v7 =	vld.idx.msk [tilespmem:v55+s12+$0x0], $0xffff  }
0x6b: {  	v23 =	vor.u32 $0x17, v2;
	v26 =	vld.idx.msk [tilespmem:v60+s13+$0x0], $0xffff;
	v25 =	vmul.f32 v58, v10;
	v3 =	vadd.f32 v21, v3  }
0x6c: {  	v28 =	vor.u32 $0x18, v1;
	v9 =	vld.idx.msk [tilespmem:v59+s12+$0x0], $0xffff  }
0x6d: {  	v27 =	vor.u32 $0x18, v2;
	v30 =	vld.idx.msk [tilespmem:v20+s13+$0x0], $0xffff;
	v29 =	vmul.f32 v62, v12;
	v3 =	vadd.f32 v25, v3  }
0x6e: {  	v32 =	vor.u32 $0x19, v1;
	v11 =	vld.idx.msk [tilespmem:v63+s12+$0x0], $0xffff  }
0x6f: {  	v31 =	vor.u32 $0x19, v2;
	v34 =	vld.idx.msk [tilespmem:v24+s13+$0x0], $0xffff;
	v33 =	vmul.f32 v22, v7;
	v3 =	vadd.f32 v29, v3  }
0x70: {  	v36 =	vor.u32 $0x1A, v1;
	v13 =	vld.idx.msk [tilespmem:v23+s12+$0x0], $0xffff  }
0x71: {  	v35 =	vor.u32 $0x1A, v2;
	v38 =	vld.idx.msk [tilespmem:v28+s13+$0x0], $0xffff;
	v37 =	vmul.f32 v26, v9;
	v3 =	vadd.f32 v33, v3  }
0x72: {  	v40 =	vor.u32 $0x1B, v1;
	v10 =	vld.idx.msk [tilespmem:v27+s12+$0x0], $0xffff  }
0x73: {  	v39 =	vor.u32 $0x1B, v2;
	v42 =	vld.idx.msk [tilespmem:v32+s13+$0x0], $0xffff;
	v41 =	vmul.f32 v30, v11;
	v3 =	vadd.f32 v37, v3  }
0x74: {  	v44 =	vor.u32 $0x1C, v1;
	v12 =	vld.idx.msk [tilespmem:v31+s12+$0x0], $0xffff  }
0x75: {  	v43 =	vor.u32 $0x1C, v2;
	v46 =	vld.idx.msk [tilespmem:v36+s13+$0x0], $0xffff;
	v45 =	vmul.f32 v34, v13;
	v3 =	vadd.f32 v41, v3  }
0x76: {  	v47 =	vor.u32 $0x1D, v2;
	v7 =	vld.idx.msk [tilespmem:v35+s12+$0x0], $0xffff  }
0x77: {  	v48 =	vor.u32 $0x1D, v1;
	v50 =	vld.idx.msk [tilespmem:v40+s13+$0x0], $0xffff;
	v49 =	vmul.f32 v38, v10;
	v3 =	vadd.f32 v45, v3  }
0x78: {  	v51 =	vor.u32 $0x1E, v2;
	v9 =	vld.idx.msk [tilespmem:v39+s12+$0x0], $0xffff  }
0x79: {  	v52 =	vor.u32 $0x1E, v1;
	v54 =	vld.idx.msk [tilespmem:v44+s13+$0x0], $0xffff;
	v53 =	vmul.f32 v42, v12;
	v3 =	vadd.f32 v49, v3  }
0x7a: {  	v2 =	vor.u32 $0x1F, v2;
	v11 =	vld.idx.msk [tilespmem:v43+s12+$0x0], $0xffff  }
0x7b: {  	v1 =	vor.u32 $0x1F, v1;
	v55 =	vld.idx.msk [tilespmem:v47+s12+$0x0], $0xffff;
	v56 =	vmul.f32 v46, v7;
	v3 =	vadd.f32 v53, v3  }
0x7c: {  	v57 =	vld.idx.msk [tilespmem:v48+s13+$0x0], $0xffff  }
0x7d: {  	v58 =	vld.idx.msk [tilespmem:v51+s12+$0x0], $0xffff;
	v59 =	vmul.f32 v50, v9;
	v3 =	vadd.f32 v56, v3  }
0x7e: {  	v60 =	vld.idx.msk [tilespmem:v52+s13+$0x0], $0xffff  }
0x7f: {  	v2 =	vld.idx.msk [tilespmem:v2+s12+$0x0], $0xffff;
	v61 =	vmul.f32 v54, v11;
	v3 =	vadd.f32 v59, v3  }
0x80: {  	v1 =	vld.idx.msk [tilespmem:v1+s13+$0x0], $0xffff  }
0x81: {  	v62 =	vmul.f32 v57, v55;
	v3 =	vadd.f32 v61, v3;
	_ =	sdelay $0x1  }
0x82: {  	v63 =	vmul.f32 v60, v58;
	v3 =	vadd.f32 v62, v3;
	_ =	sdelay $0x1  }
0x83: {  	v1 =	vmul.f32 v1, v2;
	v3 =	vadd.f32 v63, v3;
	_ =	sdelay $0x1  }
0x84: {  	v1 =	vadd.f32 v1, v3;
	_ =	sdelay $0x1  }
0x85: {  	v1 =	vsub.f32 $0.0e+00, v1;
	_ =	sdelay $0x1  }
0x86: {  	v1 =	vmul.f32 $1.442695020e+00, v1;
	_ =	sdelay $0x1  }
0x87: {  	(erf) = vpow2.f32 v1;
	_ =	sdelay $0x8  }
0x88: {  	v1 =	vpop (erf)  }
0x89: {  	v1 =	vadd.f32 $1.000000000e+00, v1;
	_ =	sdelay $0x1  }
0x8a: {  	(erf) = vrcp.f32 v1;
	_ =	sdelay $0x8  }
0x8b: {  	s20 =	sadd.s32 $0x10800, s31;
	v1 =	vpop (erf)  }
0x8c: {  	s21 =	sadd.s32 $0x10, s31;
	[tilespmem:s20+$0x0] =	vst v1  }
0x8d: {  	s22 =	sadd.s32 $0x10, s22;
	v1 =	vld [tilespmem:s21+$0x0]  }
0x8e: {  	p0 =	por p1, p1;
	s23 =	simm.s32 $0x10;
	s24 =	simm.s32 $0x20;
	v2 =	vld [tilespmem:s22+$0x0]  }
.LBB2_5:
0x8f: {  	p1 =	sne.s32 s24, $0xF0;
	_ =	sdelay $0x1  }
0x90: {  	v3 =	vmov s23;
	s23 =	smov.u32 s24  }
0x91: {  	v3 =	vshll.u32 v3, $0x7;
	v1 =	vshra.s32 v1, $0xD  }
0x92: {  	v3 =	vor.u32 v0, v3;
	v1 =	vand.u32 $0xFFFFFFE0, v1;
	v2 =	vshra.s32 v2, $0xA  }
0x93: {  	v4 =	vand.u32 $0xFFFFFFE0, v2;
	v2 =	vadd.s32 v3, v1  }
0x94: {  	v1 =	vadd.s32 v3, v4  }
0x95: {  	v3 =	vor.u32 $0x1, v2  }
0x96: {  	v4 =	vor.u32 $0x1, v1  }
0x97: {  	v5 =	vor.u32 $0x2, v2  }
0x98: {  	v7 =	vor.u32 $0x2, v1;
	v6 =	vld.idx.msk [tilespmem:v2+s12+$0x0], $0xffff  }
0x99: {  	v9 =	vor.u32 $0x3, v2;
	v8 =	vld.idx.msk [tilespmem:v1+s13+$0x0], $0xffff  }
0x9a: {  	v10 =	vor.u32 $0x3, v1;
	v3 =	vld.idx.msk [tilespmem:v3+s12+$0x0], $0xffff  }
0x9b: {  	v11 =	vor.u32 $0x4, v2;
	v4 =	vld.idx.msk [tilespmem:v4+s13+$0x0], $0xffff  }
0x9c: {  	v12 =	vor.u32 $0x4, v1;
	v5 =	vld.idx.msk [tilespmem:v5+s12+$0x0], $0xffff  }
0x9d: {  	v13 =	vor.u32 $0x5, v2;
	v7 =	vld.idx.msk [tilespmem:v7+s13+$0x0], $0xffff  }
0x9e: {  	v14 =	vor.u32 $0x5, v1;
	v9 =	vld.idx.msk [tilespmem:v9+s12+$0x0], $0xffff  }
0x9f: {  	v6 =	vmul.f32 v8, v6;
	v8 =	vld.idx.msk [tilespmem:v10+s13+$0x0], $0xffff;
	v10 =	vor.u32 $0x6, v2  }
0xa0: {  	v15 =	vor.u32 $0x6, v1;
	v11 =	vld.idx.msk [tilespmem:v11+s12+$0x0], $0xffff  }
0xa1: {  	v6 =	vadd.f32 $0.0e+00, v6;
	v3 =	vmul.f32 v4, v3;
	v4 =	vld.idx.msk [tilespmem:v12+s13+$0x0], $0xffff;
	v12 =	vor.u32 $0x7, v2  }
0xa2: {  	v16 =	vor.u32 $0x7, v1;
	v13 =	vld.idx.msk [tilespmem:v13+s12+$0x0], $0xffff  }
0xa3: {  	v3 =	vadd.f32 v3, v6;
	v5 =	vmul.f32 v7, v5;
	v7 =	vor.u32 $0x8, v2;
	v6 =	vld.idx.msk [tilespmem:v14+s13+$0x0], $0xffff  }
0xa4: {  	v14 =	vor.u32 $0x8, v1;
	v10 =	vld.idx.msk [tilespmem:v10+s12+$0x0], $0xffff  }
0xa5: {  	v3 =	vadd.f32 v5, v3;
	v5 =	vmul.f32 v8, v9;
	v9 =	vor.u32 $0x9, v2;
	v8 =	vld.idx.msk [tilespmem:v15+s13+$0x0], $0xffff  }
0xa6: {  	v15 =	vor.u32 $0x9, v1;
	v12 =	vld.idx.msk [tilespmem:v12+s12+$0x0], $0xffff  }
0xa7: {  	v3 =	vadd.f32 v5, v3;
	v4 =	vmul.f32 v4, v11;
	v11 =	vor.u32 $0xA, v2;
	v5 =	vld.idx.msk [tilespmem:v16+s13+$0x0], $0xffff  }
0xa8: {  	v16 =	vor.u32 $0xA, v1;
	v7 =	vld.idx.msk [tilespmem:v7+s12+$0x0], $0xffff  }
0xa9: {  	v3 =	vadd.f32 v4, v3;
	v4 =	vmul.f32 v6, v13;
	v13 =	vor.u32 $0xB, v2;
	v6 =	vld.idx.msk [tilespmem:v14+s13+$0x0], $0xffff  }
0xaa: {  	v14 =	vor.u32 $0xB, v1;
	v9 =	vld.idx.msk [tilespmem:v9+s12+$0x0], $0xffff  }
0xab: {  	v3 =	vadd.f32 v4, v3;
	v4 =	vmul.f32 v8, v10;
	v10 =	vor.u32 $0xC, v2;
	v8 =	vld.idx.msk [tilespmem:v15+s13+$0x0], $0xffff  }
0xac: {  	v15 =	vor.u32 $0xC, v1;
	v11 =	vld.idx.msk [tilespmem:v11+s12+$0x0], $0xffff  }
0xad: {  	v3 =	vadd.f32 v4, v3;
	v4 =	vmul.f32 v5, v12;
	v12 =	vor.u32 $0xD, v2;
	v5 =	vld.idx.msk [tilespmem:v16+s13+$0x0], $0xffff  }
0xae: {  	v16 =	vor.u32 $0xD, v1;
	v13 =	vld.idx.msk [tilespmem:v13+s12+$0x0], $0xffff  }
0xaf: {  	v3 =	vadd.f32 v4, v3;
	v4 =	vmul.f32 v6, v7;
	v7 =	vor.u32 $0xE, v2;
	v6 =	vld.idx.msk [tilespmem:v14+s13+$0x0], $0xffff  }
0xb0: {  	v14 =	vor.u32 $0xE, v1;
	v10 =	vld.idx.msk [tilespmem:v10+s12+$0x0], $0xffff  }
0xb1: {  	v3 =	vadd.f32 v4, v3;
	v4 =	vmul.f32 v8, v9;
	v9 =	vor.u32 $0xF, v2;
	v8 =	vld.idx.msk [tilespmem:v15+s13+$0x0], $0xffff  }
0xb2: {  	v15 =	vor.u32 $0xF, v1;
	v12 =	vld.idx.msk [tilespmem:v12+s12+$0x0], $0xffff  }
0xb3: {  	v3 =	vadd.f32 v4, v3;
	v4 =	vmul.f32 v5, v11;
	v11 =	vor.u32 $0x10, v2;
	v5 =	vld.idx.msk [tilespmem:v16+s13+$0x0], $0xffff  }
0xb4: {  	v16 =	vor.u32 $0x10, v1;
	v7 =	vld.idx.msk [tilespmem:v7+s12+$0x0], $0xffff  }
0xb5: {  	v3 =	vadd.f32 v4, v3;
	v4 =	vmul.f32 v6, v13;
	v13 =	vor.u32 $0x11, v2;
	v6 =	vld.idx.msk [tilespmem:v14+s13+$0x0], $0xffff  }
0xb6: {  	v14 =	vor.u32 $0x11, v1;
	v9 =	vld.idx.msk [tilespmem:v9+s12+$0x0], $0xffff  }
0xb7: {  	v3 =	vadd.f32 v4, v3;
	v4 =	vmul.f32 v8, v10;
	v10 =	vor.u32 $0x12, v2;
	v8 =	vld.idx.msk [tilespmem:v15+s13+$0x0], $0xffff  }
0xb8: {  	v15 =	vor.u32 $0x12, v1;
	v11 =	vld.idx.msk [tilespmem:v11+s12+$0x0], $0xffff  }
0xb9: {  	v3 =	vadd.f32 v4, v3;
	v4 =	vmul.f32 v5, v12;
	v12 =	vor.u32 $0x13, v2;
	v5 =	vld.idx.msk [tilespmem:v16+s13+$0x0], $0xffff  }
0xba: {  	v16 =	vor.u32 $0x13, v1;
	v13 =	vld.idx.msk [tilespmem:v13+s12+$0x0], $0xffff  }
0xbb: {  	v3 =	vadd.f32 v4, v3;
	v4 =	vmul.f32 v6, v7;
	v7 =	vor.u32 $0x14, v2;
	v6 =	vld.idx.msk [tilespmem:v14+s13+$0x0], $0xffff  }
0xbc: {  	v14 =	vor.u32 $0x14, v1;
	v10 =	vld.idx.msk [tilespmem:v10+s12+$0x0], $0xffff  }
0xbd: {  	v3 =	vadd.f32 v4, v3;
	v4 =	vmul.f32 v8, v9;
	v9 =	vor.u32 $0x15, v2;
	v8 =	vld.idx.msk [tilespmem:v15+s13+$0x0], $0xffff  }
0xbe: {  	v15 =	vor.u32 $0x15, v1;
	v12 =	vld.idx.msk [tilespmem:v12+s12+$0x0], $0xffff  }
0xbf: {  	v3 =	vadd.f32 v4, v3;
	v4 =	vmul.f32 v5, v11;
	v11 =	vor.u32 $0x16, v2;
	v5 =	vld.idx.msk [tilespmem:v16+s13+$0x0], $0xffff  }
0xc0: {  	v16 =	vor.u32 $0x16, v1;
	v7 =	vld.idx.msk [tilespmem:v7+s12+$0x0], $0xffff  }
0xc1: {  	v3 =	vadd.f32 v4, v3;
	v4 =	vmul.f32 v6, v13;
	v13 =	vor.u32 $0x17, v2;
	v6 =	vld.idx.msk [tilespmem:v14+s13+$0x0], $0xffff  }
0xc2: {  	v14 =	vor.u32 $0x17, v1;
	v9 =	vld.idx.msk [tilespmem:v9+s12+$0x0], $0xffff  }
0xc3: {  	v3 =	vadd.f32 v4, v3;
	v4 =	vmul.f32 v8, v10;
	v10 =	vor.u32 $0x18, v2;
	v8 =	vld.idx.msk [tilespmem:v15+s13+$0x0], $0xffff  }
0xc4: {  	v15 =	vor.u32 $0x18, v1;
	v11 =	vld.idx.msk [tilespmem:v11+s12+$0x0], $0xffff  }
0xc5: {  	v3 =	vadd.f32 v4, v3;
	v4 =	vmul.f32 v5, v12;
	v12 =	vor.u32 $0x19, v2;
	v5 =	vld.idx.msk [tilespmem:v16+s13+$0x0], $0xffff  }
0xc6: {  	v16 =	vor.u32 $0x19, v1;
	v13 =	vld.idx.msk [tilespmem:v13+s12+$0x0], $0xffff  }
0xc7: {  	v3 =	vadd.f32 v4, v3;
	v4 =	vmul.f32 v6, v7;
	v7 =	vor.u32 $0x1A, v2;
	v6 =	vld.idx.msk [tilespmem:v14+s13+$0x0], $0xffff  }
0xc8: {  	v14 =	vor.u32 $0x1A, v1;
	v10 =	vld.idx.msk [tilespmem:v10+s12+$0x0], $0xffff  }
0xc9: {  	v3 =	vadd.f32 v4, v3;
	v4 =	vmul.f32 v8, v9;
	v9 =	vor.u32 $0x1B, v2;
	v8 =	vld.idx.msk [tilespmem:v15+s13+$0x0], $0xffff  }
0xca: {  	v15 =	vor.u32 $0x1B, v1;
	v12 =	vld.idx.msk [tilespmem:v12+s12+$0x0], $0xffff  }
0xcb: {  	v3 =	vadd.f32 v4, v3;
	v4 =	vmul.f32 v5, v11;
	v11 =	vor.u32 $0x1C, v2;
	v5 =	vld.idx.msk [tilespmem:v16+s13+$0x0], $0xffff  }
0xcc: {  	v16 =	vor.u32 $0x1C, v1;
	v7 =	vld.idx.msk [tilespmem:v7+s12+$0x0], $0xffff  }
0xcd: {  	v3 =	vadd.f32 v4, v3;
	v4 =	vmul.f32 v6, v13;
	v13 =	vor.u32 $0x1D, v2;
	v6 =	vld.idx.msk [tilespmem:v14+s13+$0x0], $0xffff  }
0xce: {  	v14 =	vor.u32 $0x1D, v1;
	v9 =	vld.idx.msk [tilespmem:v9+s12+$0x0], $0xffff  }
0xcf: {  	v3 =	vadd.f32 v4, v3;
	v4 =	vmul.f32 v8, v10;
	v10 =	vor.u32 $0x1E, v2;
	v8 =	vld.idx.msk [tilespmem:v15+s13+$0x0], $0xffff  }
0xd0: {  	v15 =	vor.u32 $0x1E, v1;
	v11 =	vld.idx.msk [tilespmem:v11+s12+$0x0], $0xffff  }
0xd1: {  	v2 =	vor.u32 $0x1F, v2;
	v3 =	vadd.f32 v4, v3;
	v4 =	vmul.f32 v5, v12;
	v5 =	vld.idx.msk [tilespmem:v16+s13+$0x0], $0xffff  }
0xd2: {  	v1 =	vor.u32 $0x1F, v1;
	v12 =	vld.idx.msk [tilespmem:v13+s12+$0x0], $0xffff  }
0xd3: {  	v3 =	vadd.f32 v4, v3;
	v4 =	vmul.f32 v6, v7;
	v6 =	vld.idx.msk [tilespmem:v14+s13+$0x0], $0xffff  }
0xd4: {  	v7 =	vld.idx.msk [tilespmem:v10+s12+$0x0], $0xffff  }
0xd5: {  	v3 =	vadd.f32 v4, v3;
	v4 =	vmul.f32 v8, v9;
	v8 =	vld.idx.msk [tilespmem:v15+s13+$0x0], $0xffff  }
0xd6: {  	v2 =	vld.idx.msk [tilespmem:v2+s12+$0x0], $0xffff  }
0xd7: {  	v3 =	vadd.f32 v4, v3;
	v4 =	vmul.f32 v5, v11;
	v1 =	vld.idx.msk [tilespmem:v1+s13+$0x0], $0xffff;
	_ =	sdelay $0x1  }
0xd8: {  	v3 =	vadd.f32 v4, v3;
	v4 =	vmul.f32 v6, v12;
	_ =	sdelay $0x1  }
0xd9: {  	v3 =	vadd.f32 v4, v3;
	v4 =	vmul.f32 v8, v7;
	_ =	sdelay $0x1  }
0xda: {  	v3 =	vadd.f32 v4, v3;
	v1 =	vmul.f32 v1, v2;
	_ =	sdelay $0x1  }
0xdb: {  	v1 =	vadd.f32 v1, v3;
	_ =	sdelay $0x1  }
0xdc: {  	v1 =	vsub.f32 $0.0e+00, v1;
	_ =	sdelay $0x1  }
0xdd: {  	v1 =	vmul.f32 $1.442695020e+00, v1;
	_ =	sdelay $0x1  }
0xde: {  	(erf) = vpow2.f32 v1;
	_ =	sdelay $0x8  }
0xdf: {  	v1 =	vpop (erf)  }
0xe0: {  	v1 =	vadd.f32 $1.000000000e+00, v1;
	_ =	sdelay $0x1  }
0xe1: {  	(erf) = vrcp.f32 v1;
	_ =	sdelay $0x7  }
.Ltmp1:
0xe2: {  	(pc) =	sbr.rel @p1 .LBB2_5-.Ltmp1, $4  }
0xe3: {  	s20 =	sadd.s32 $0x10, s20;
	v1 =	vpop (erf)  }
0xe4: {  	s21 =	sadd.s32 $0x10, s21;
	[tilespmem:s20+$0x0] =	vst v1  }
0xe5: {  	s22 =	sadd.s32 $0x10, s22;
	v1 =	vld [tilespmem:s21+$0x0]  }
0xe6: {  	s24 =	sadd.s32 $0x10, s24;
	v2 =	vld [tilespmem:s22+$0x0]  }
0xe7: {  	_ =	sdelay $0x1  }
0xe8: {  	v3 =	vmov s23  }
0xe9: {  	v3 =	vshll.u32 v3, $0x7;
	v1 =	vshra.s32 v1, $0xD  }
0xea: {  	v3 =	vor.u32 v0, v3;
	v1 =	vand.u32 $0xFFFFFFE0, v1;
	v2 =	vshra.s32 v2, $0xA  }
0xeb: {  	v4 =	vand.u32 $0xFFFFFFE0, v2;
	v2 =	vadd.s32 v3, v1  }
0xec: {  	v1 =	vadd.s32 v3, v4  }
0xed: {  	v3 =	vor.u32 $0x1, v2  }
0xee: {  	v4 =	vor.u32 $0x1, v1  }
0xef: {  	v5 =	vor.u32 $0x2, v2  }
0xf0: {  	v7 =	vor.u32 $0x2, v1;
	v6 =	vld.idx.msk [tilespmem:v2+s12+$0x0], $0xffff  }
0xf1: {  	v9 =	vor.u32 $0x3, v2;
	v8 =	vld.idx.msk [tilespmem:v1+s13+$0x0], $0xffff  }
0xf2: {  	v10 =	vor.u32 $0x3, v1;
	v3 =	vld.idx.msk [tilespmem:v3+s12+$0x0], $0xffff  }
0xf3: {  	v11 =	vor.u32 $0x4, v2;
	v4 =	vld.idx.msk [tilespmem:v4+s13+$0x0], $0xffff  }
0xf4: {  	v12 =	vor.u32 $0x4, v1;
	v5 =	vld.idx.msk [tilespmem:v5+s12+$0x0], $0xffff  }
0xf5: {  	v13 =	vor.u32 $0x5, v2;
	v7 =	vld.idx.msk [tilespmem:v7+s13+$0x0], $0xffff  }
0xf6: {  	v14 =	vor.u32 $0x5, v1;
	v9 =	vld.idx.msk [tilespmem:v9+s12+$0x0], $0xffff;
	v6 =	vmul.f32 v8, v6  }
0xf7: {  	v49 =	vor.u32 $0x6, v2;
	v48 =	vld.idx.msk [tilespmem:v10+s13+$0x0], $0xffff  }
0xf8: {  	v15 =	vor.u32 $0x6, v1;
	v11 =	vld.idx.msk [tilespmem:v11+s12+$0x0], $0xffff;
	v3 =	vmul.f32 v4, v3;
	v6 =	vadd.f32 $0.0e+00, v6  }
0xf9: {  	v51 =	vor.u32 $0x7, v2;
	v50 =	vld.idx.msk [tilespmem:v12+s13+$0x0], $0xffff  }
0xfa: {  	v16 =	vor.u32 $0x7, v1;
	v13 =	vld.idx.msk [tilespmem:v13+s12+$0x0], $0xffff;
	v5 =	vmul.f32 v7, v5;
	v3 =	vadd.f32 v3, v6  }
0xfb: {  	v54 =	vor.u32 $0x8, v1;
	v52 =	vld.idx.msk [tilespmem:v14+s13+$0x0], $0xffff  }
0xfc: {  	v53 =	vor.u32 $0x8, v2;
	v10 =	vld.idx.msk [tilespmem:v49+s12+$0x0], $0xffff;
	v55 =	vmul.f32 v48, v9;
	v3 =	vadd.f32 v5, v3  }
0xfd: {  	v58 =	vor.u32 $0x9, v1;
	v56 =	vld.idx.msk [tilespmem:v15+s13+$0x0], $0xffff  }
0xfe: {  	v57 =	vor.u32 $0x9, v2;
	v12 =	vld.idx.msk [tilespmem:v51+s12+$0x0], $0xffff;
	v4 =	vmul.f32 v50, v11;
	v3 =	vadd.f32 v55, v3  }
0xff: {  	v61 =	vor.u32 $0xA, v1;
	v59 =	vld.idx.msk [tilespmem:v16+s13+$0x0], $0xffff  }
0x100: {  	v60 =	vor.u32 $0xA, v2;
	v63 =	vld.idx.msk [tilespmem:v54+s13+$0x0], $0xffff;
	v62 =	vmul.f32 v52, v13;
	v3 =	vadd.f32 v4, v3  }
0x101: {  	v20 =	vor.u32 $0xB, v1;
	v7 =	vld.idx.msk [tilespmem:v53+s12+$0x0], $0xffff  }
0x102: {  	v19 =	vor.u32 $0xB, v2;
	v22 =	vld.idx.msk [tilespmem:v58+s13+$0x0], $0xffff;
	v21 =	vmul.f32 v56, v10;
	v3 =	vadd.f32 v62, v3  }
0x103: {  	v24 =	vor.u32 $0xC, v1;
	v9 =	vld.idx.msk [tilespmem:v57+s12+$0x0], $0xffff  }
0x104: {  	v23 =	vor.u32 $0xC, v2;
	v26 =	vld.idx.msk [tilespmem:v61+s13+$0x0], $0xffff;
	v25 =	vmul.f32 v59, v12;
	v3 =	vadd.f32 v21, v3  }
0x105: {  	v28 =	vor.u32 $0xD, v1;
	v11 =	vld.idx.msk [tilespmem:v60+s12+$0x0], $0xffff  }
0x106: {  	v27 =	vor.u32 $0xD, v2;
	v30 =	vld.idx.msk [tilespmem:v20+s13+$0x0], $0xffff;
	v29 =	vmul.f32 v63, v7;
	v3 =	vadd.f32 v25, v3  }
0x107: {  	v32 =	vor.u32 $0xE, v1;
	v13 =	vld.idx.msk [tilespmem:v19+s12+$0x0], $0xffff  }
0x108: {  	v31 =	vor.u32 $0xE, v2;
	v34 =	vld.idx.msk [tilespmem:v24+s13+$0x0], $0xffff;
	v33 =	vmul.f32 v22, v9;
	v3 =	vadd.f32 v29, v3  }
0x109: {  	v36 =	vor.u32 $0xF, v1;
	v10 =	vld.idx.msk [tilespmem:v23+s12+$0x0], $0xffff  }
0x10a: {  	v35 =	vor.u32 $0xF, v2;
	v38 =	vld.idx.msk [tilespmem:v28+s13+$0x0], $0xffff;
	v37 =	vmul.f32 v26, v11;
	v3 =	vadd.f32 v33, v3  }
0x10b: {  	v40 =	vor.u32 $0x10, v1;
	v12 =	vld.idx.msk [tilespmem:v27+s12+$0x0], $0xffff  }
0x10c: {  	v39 =	vor.u32 $0x10, v2;
	v42 =	vld.idx.msk [tilespmem:v32+s13+$0x0], $0xffff;
	v41 =	vmul.f32 v30, v13;
	v3 =	vadd.f32 v37, v3  }
0x10d: {  	v44 =	vor.u32 $0x11, v1;
	v7 =	vld.idx.msk [tilespmem:v31+s12+$0x0], $0xffff  }
0x10e: {  	v43 =	vor.u32 $0x11, v2;
	v46 =	vld.idx.msk [tilespmem:v36+s13+$0x0], $0xffff;
	v45 =	vmul.f32 v34, v10;
	v3 =	vadd.f32 v41, v3  }
0x10f: {  	v47 =	vor.u32 $0x12, v2;
	v9 =	vld.idx.msk [tilespmem:v35+s12+$0x0], $0xffff  }
0x110: {  	v48 =	vor.u32 $0x12, v1;
	v50 =	vld.idx.msk [tilespmem:v40+s13+$0x0], $0xffff;
	v49 =	vmul.f32 v38, v12;
	v3 =	vadd.f32 v45, v3  }
0x111: {  	v51 =	vor.u32 $0x13, v2;
	v11 =	vld.idx.msk [tilespmem:v39+s12+$0x0], $0xffff  }
0x112: {  	v54 =	vld.idx.msk [tilespmem:v44+s13+$0x0], $0xffff;
	v52 =	vor.u32 $0x13, v1;
	v53 =	vmul.f32 v42, v7;
	v3 =	vadd.f32 v49, v3  }
0x113: {  	v56 =	vor.u32 $0x14, v1;
	v13 =	vld.idx.msk [tilespmem:v43+s12+$0x0], $0xffff  }
0x114: {  	v10 =	vld.idx.msk [tilespmem:v47+s12+$0x0], $0xffff;
	v55 =	vor.u32 $0x14, v2;
	v57 =	vmul.f32 v46, v9;
	v3 =	vadd.f32 v53, v3  }
0x115: {  	v60 =	vor.u32 $0x15, v1;
	v58 =	vld.idx.msk [tilespmem:v48+s13+$0x0], $0xffff  }
0x116: {  	v59 =	vor.u32 $0x15, v2;
	v12 =	vld.idx.msk [tilespmem:v51+s12+$0x0], $0xffff;
	v61 =	vmul.f32 v50, v11;
	v3 =	vadd.f32 v57, v3  }
0x117: {  	v20 =	vor.u32 $0x16, v1;
	v62 =	vld.idx.msk [tilespmem:v52+s13+$0x0], $0xffff  }
0x118: {  	v63 =	vor.u32 $0x16, v2;
	v22 =	vld.idx.msk [tilespmem:v56+s13+$0x0], $0xffff;
	v21 =	vmul.f32 v54, v13;
	v3 =	vadd.f32 v61, v3  }
0x119: {  	v24 =	vor.u32 $0x17, v1;
	v7 =	vld.idx.msk [tilespmem:v55+s12+$0x0], $0xffff  }
0x11a: {  	v23 =	vor.u32 $0x17, v2;
	v26 =	vld.idx.msk [tilespmem:v60+s13+$0x0], $0xffff;
	v25 =	vmul.f32 v58, v10;
	v3 =	vadd.f32 v21, v3  }
0x11b: {  	v28 =	vor.u32 $0x18, v1;
	v9 =	vld.idx.msk [tilespmem:v59+s12+$0x0], $0xffff  }
0x11c: {  	v27 =	vor.u32 $0x18, v2;
	v30 =	vld.idx.msk [tilespmem:v20+s13+$0x0], $0xffff;
	v29 =	vmul.f32 v62, v12;
	v3 =	vadd.f32 v25, v3  }
0x11d: {  	v32 =	vor.u32 $0x19, v1;
	v11 =	vld.idx.msk [tilespmem:v63+s12+$0x0], $0xffff  }
0x11e: {  	v31 =	vor.u32 $0x19, v2;
	v34 =	vld.idx.msk [tilespmem:v24+s13+$0x0], $0xffff;
	v33 =	vmul.f32 v22, v7;
	v3 =	vadd.f32 v29, v3  }
0x11f: {  	v36 =	vor.u32 $0x1A, v1;
	v13 =	vld.idx.msk [tilespmem:v23+s12+$0x0], $0xffff  }
0x120: {  	v35 =	vor.u32 $0x1A, v2;
	v38 =	vld.idx.msk [tilespmem:v28+s13+$0x0], $0xffff;
	v37 =	vmul.f32 v26, v9;
	v3 =	vadd.f32 v33, v3  }
0x121: {  	v40 =	vor.u32 $0x1B, v1;
	v10 =	vld.idx.msk [tilespmem:v27+s12+$0x0], $0xffff  }
0x122: {  	v39 =	vor.u32 $0x1B, v2;
	v42 =	vld.idx.msk [tilespmem:v32+s13+$0x0], $0xffff;
	v41 =	vmul.f32 v30, v11;
	v3 =	vadd.f32 v37, v3  }
0x123: {  	v44 =	vor.u32 $0x1C, v1;
	v12 =	vld.idx.msk [tilespmem:v31+s12+$0x0], $0xffff  }
0x124: {  	v43 =	vor.u32 $0x1C, v2;
	v46 =	vld.idx.msk [tilespmem:v36+s13+$0x0], $0xffff;
	v45 =	vmul.f32 v34, v13;
	v3 =	vadd.f32 v41, v3  }
0x125: {  	v47 =	vor.u32 $0x1D, v2;
	v7 =	vld.idx.msk [tilespmem:v35+s12+$0x0], $0xffff  }
0x126: {  	v48 =	vor.u32 $0x1D, v1;
	v50 =	vld.idx.msk [tilespmem:v40+s13+$0x0], $0xffff;
	v49 =	vmul.f32 v38, v10;
	v3 =	vadd.f32 v45, v3  }
0x127: {  	v51 =	vor.u32 $0x1E, v2;
	v9 =	vld.idx.msk [tilespmem:v39+s12+$0x0], $0xffff  }
0x128: {  	v52 =	vor.u32 $0x1E, v1;
	v54 =	vld.idx.msk [tilespmem:v44+s13+$0x0], $0xffff;
	v53 =	vmul.f32 v42, v12;
	v3 =	vadd.f32 v49, v3  }
0x129: {  	v2 =	vor.u32 $0x1F, v2;
	v11 =	vld.idx.msk [tilespmem:v43+s12+$0x0], $0xffff  }
0x12a: {  	v1 =	vor.u32 $0x1F, v1;
	v55 =	vld.idx.msk [tilespmem:v47+s12+$0x0], $0xffff;
	v56 =	vmul.f32 v46, v7;
	v3 =	vadd.f32 v53, v3  }
0x12b: {  	v57 =	vld.idx.msk [tilespmem:v48+s13+$0x0], $0xffff  }
0x12c: {  	v58 =	vld.idx.msk [tilespmem:v51+s12+$0x0], $0xffff;
	v59 =	vmul.f32 v50, v9;
	v3 =	vadd.f32 v56, v3  }
0x12d: {  	v60 =	vld.idx.msk [tilespmem:v52+s13+$0x0], $0xffff  }
0x12e: {  	v2 =	vld.idx.msk [tilespmem:v2+s12+$0x0], $0xffff;
	v61 =	vmul.f32 v54, v11;
	v3 =	vadd.f32 v59, v3  }
0x12f: {  	v1 =	vld.idx.msk [tilespmem:v1+s13+$0x0], $0xffff  }
0x130: {  	v62 =	vmul.f32 v57, v55;
	v3 =	vadd.f32 v61, v3;
	_ =	sdelay $0x1  }
0x131: {  	v63 =	vmul.f32 v60, v58;
	v3 =	vadd.f32 v62, v3;
	_ =	sdelay $0x1  }
0x132: {  	v1 =	vmul.f32 v1, v2;
	v3 =	vadd.f32 v63, v3;
	_ =	sdelay $0x1  }
0x133: {  	v1 =	vadd.f32 v1, v3;
	_ =	sdelay $0x1  }
0x134: {  	v1 =	vsub.f32 $0.0e+00, v1;
	_ =	sdelay $0x1  }
0x135: {  	v1 =	vmul.f32 $1.442695020e+00, v1;
	_ =	sdelay $0x1  }
0x136: {  	(erf) = vpow2.f32 v1;
	_ =	sdelay $0x8  }
0x137: {  	v1 =	vpop (erf)  }
0x138: {  	v1 =	vadd.f32 $1.000000000e+00, v1;
	_ =	sdelay $0x1  }
0x139: {  	(erf) = vrcp.f32 v1;
	_ =	sdelay $0x5  }
.Ltmp2:
0x13a: {  	_ = 	snop;
	(pc) =	sbr.rel @p0 .LBB2_4-.Ltmp2, $3  }
0x13b: {  	_ =	sdelay $0x1  }
0x13c: {  	s20 =	sadd.s32 $0x10, s20;
	v1 =	vpop (erf)  }
0x13d: {  	p1 =	por $0x0, $0x0;
	[tilespmem:s20+$0x0] =	vst v1;
	s20 =	simm.s32 $0x100  }
0x13e: {  	s18 =	sadd.s32 $0x1, s18  }
0x13f: {  	p0 =	sne.s32 s18, s8  }
.Ltmp3:
0x140: {  	_ = 	snop;
	(pc) =	sbr.rel @p0 .LBB2_1-.Ltmp3, $4  }
0x141: {  	[hbm4b:s7+s1] =	stream.linear.scatter [tilespmem:s17], [sflag:$0x2], $0x200, $0x38;
	[tilespmem:$0x10A00] =	vst v63  }
0x142: {  	_ =	swait.ge [sflag:s9], $0x200  }
0x143: {  	[sflag:s9] =	ssyncset.done $0x0  }
0x144: {  	[sflag:s9] =	ssyncadd.s32 $0xFFFFFE00  }
0x145: {  	_ =	sfence.sel $0x180000  }
0x146: {  	[bflag:$0x0] =	sbarrier.arrive $0xFFFF  }
0x147: {  	p0 =	sne.s32 s2, $0x0;
	_ =	strace $0x90000047  }
0x148: {  	s0 =	sadd.s32 @!p0 $0x100000, s0;
	[bflag:$0x2] =	sbarrier.arrive $0xFFFF  }
0x149: {  	[sflag:s0] =	ssyncadd.tile.s32 @!p0 $0x1;
	_ =	shalt  }
.Lfunc_end2:
_tile_overlayer_lowered:
.L_overlay_start_2:
0x14a: {  	(tag) =	ssettag $0x2  }
0x14b: {  	s0 =	rddreg [dreg:$0x0];
	s2 =	stileid.u32  }
0x14c: {  	s1 =	rddreg [dreg:$0x1];
	p0 =	sne.s32 s2, $0x0  }
0x14d: {  	s3 =	rddreg [dreg:$0x2];
	[bflag:$0x3] =	sbarrier.arrive $0xFFFF;
	s2 =	simm.s32 @!p0 $0x1C02  }
0x14e: {  	[timem:s3], [sflag:s2] =	dma.local @!p0 [hbm:s0], s1  }
0x14f: {  	s0 =	simm.s32 @!p0 $0x2  }
0x150: {  	_ =	swait.ge @!p0 [sflag:s0], s1  }
0x151: {  	s1 =	ssub.s32 @!p0 $0x0, s1;
	[sflag:s0] =	ssyncset.done @!p0 $0x0  }
0x152: {  	[sflag:s0] =	ssyncadd.s32 @!p0 s1  }
0x153: {  	[bflag:$0x3] =	sbarrier.arrive $0xFFFF  }
0x154: {  	_ =	shalt  }

</sc_bundles>
